<compile_context>
chip_gen: v7x
topology: tpu7x:2x2x1
jax: 0.10.2.dev20260603
libtpu: 0.0.44.dev20260713+nightly
codegen_flags: <defaults>
</compile_context>

<pallas_src>
import functools

import jax
import jax.numpy as jnp
from jax import lax
from jax.experimental import pallas as pl
from jax.experimental.pallas import tpu as pltpu
from jax.experimental.pallas import tpu_sc as plsc

N = 10000
E = 320000
D = 128
NC = 2
NS = 16
NW = NC * NS
LANES = 16
EPW = E // NW
CH = 80
NCHUNK = EPW // CH
RPT = N // NS
NPAD = 10112

_MESH = plsc.VectorSubcoreMesh(
    core_axis_name="c", subcore_axis_name="s", num_cores=NC, num_subcores=NS
)


@functools.partial(
    pl.kernel,
    out_type=jax.ShapeDtypeStruct((NW, N), jnp.float32),
    mesh=_MESH,
    scratch_types=[
        pltpu.VMEM((EPW,), jnp.int32),
        pltpu.VMEM((NPAD,), jnp.float32),
        pltpu.SemaphoreType.DMA,
    ],
    compiler_params=pltpu.CompilerParams(needs_layout_passes=False, use_tc_tiling_on_sc=False),
)
def _deg_kernel(ef_hbm, out_hbm, dstv, bins, sem):
    c = lax.axis_index("c")
    s = lax.axis_index("s")
    wid = c * NS + s

    base = pl.multiple_of(E + wid * EPW, 8)
    cp = pltpu.async_copy(ef_hbm.at[pl.ds(base, EPW)], dstv, sem)

    zeros = jnp.zeros((LANES,), jnp.float32)

    def _zero(i, carry):
        for k in range(8):
            bins[pl.ds((i * 8 + k) * LANES, LANES)] = zeros
        return carry

    lax.fori_loop(0, NPAD // (8 * LANES), _zero, 0)
    cp.wait()

    ones = jnp.ones((LANES,), jnp.float32)

    def _hist(i, carry):
        for k in range(5):
            idx = dstv[pl.ds((i * 5 + k) * LANES, LANES)]
            plsc.addupdate_scatter(bins, [idx], ones)
        return carry

    lax.fori_loop(0, EPW // (5 * LANES), _hist, 0)
    pltpu.sync_copy(bins.at[pl.ds(0, N)], out_hbm.at[wid])


def _scale_body(degp_ref, x_ref, dinv_ref, xs_ref):
    deg = jnp.sum(degp_ref[...], axis=0) + 1.0
    dinv = lax.rsqrt(deg)[:, None]
    dinv_ref[...] = dinv
    xs_ref[...] = x_ref[...] * dinv


_TCBLK = 2560


def _scale_call(degp, x):
    return pl.pallas_call(
        _scale_body,
        grid=((N + _TCBLK - 1) // _TCBLK,),
        in_specs=[
            pl.BlockSpec((NW, _TCBLK), lambda i: (0, i)),
            pl.BlockSpec((_TCBLK, D), lambda i: (i, 0)),
        ],
        out_specs=(
            pl.BlockSpec((_TCBLK, 1), lambda i: (i, 0)),
            pl.BlockSpec((_TCBLK, D), lambda i: (i, 0)),
        ),
        out_shape=(
            jax.ShapeDtypeStruct((N, 1), jnp.float32),
            jax.ShapeDtypeStruct((N, D), jnp.float32),
        ),
    )(degp, x)


NB = 3
assert (NCHUNK - 5) % NB == 0 and NCHUNK >= 8
ZR = 7 * CH
ZTAIL = RPT - ZR


@functools.partial(
    pl.kernel,
    out_type=jax.ShapeDtypeStruct((NC, N, D), jnp.float32),
    mesh=_MESH,
    scratch_types=[
        pltpu.VMEM((EPW,), jnp.int32),
        pltpu.VMEM((EPW,), jnp.int32),
        pltpu.VMEM((NB, CH, D), jnp.float32),
        pltpu.VMEM_SHARED((N, D), jnp.float32),
        pltpu.SemaphoreType.DMA,
        pltpu.SemaphoreType.DMA,
        pltpu.SemaphoreType.DMA,
        pltpu.SemaphoreType.DMA,
        pltpu.SemaphoreType.DMA,
        pltpu.SemaphoreType.DMA,
    ],
    compiler_params=pltpu.CompilerParams(needs_layout_passes=False, use_tc_tiling_on_sc=False),
)
def _scatter_kernel(ef_hbm, xs_hbm, out_hbm,
                    src_all, dst_all, rows, acc_sh,
                    sg0, sg1, sg2, ss0, ss1, ss2):
    c = lax.axis_index("c")
    s = lax.axis_index("s")
    wid = c * NS + s
    sg = (sg0, sg1, sg2)
    ss = (ss0, ss1, ss2)

    ebase = pl.multiple_of(wid * EPW, 8)
    c0 = pltpu.async_copy(ef_hbm.at[pl.ds(ebase, EPW)], src_all, ss0)
    c1 = pltpu.async_copy(ef_hbm.at[pl.ds(E + ebase, EPW)], dst_all, ss1)
    c0.wait()
    c1.wait()

    def _gather(i, b):
        pltpu.async_copy(
            xs_hbm.at[src_all.at[pl.ds(i * CH, CH)]], rows.at[b], sg[b])

    def _wait_gather(i, b):
        pltpu.make_async_copy(
            xs_hbm.at[src_all.at[pl.ds(i * CH, CH)]], rows.at[b], sg[b]).wait()

    def _scatter(i, b):
        pltpu.async_copy(
            rows.at[b], acc_sh.at[dst_all.at[pl.ds(i * CH, CH)]], ss[b],
            add=True).wait()

    _gather(1, 1)
    _gather(2, 2)

    zflat = jnp.zeros((LANES,), jnp.float32)
    zbuf = rows.at[0]

    def _zrow(r, carry):
        for k in range(D // LANES):
            zbuf[r, pl.ds(k * LANES, LANES)] = zflat
        return carry

    lax.fori_loop(0, CH, _zrow, 0)
    rbase = s * RPT
    for k in range(7):
        pltpu.sync_copy(zbuf, acc_sh.at[pl.ds(rbase + k * CH, CH)])
    pltpu.sync_copy(zbuf.at[pl.ds(0, ZTAIL)], acc_sh.at[pl.ds(rbase + ZR, ZTAIL)])
    _gather(0, 0)
    plsc.subcore_barrier()

    def _trio(j, carry):
        i = j * NB
        for b in range(NB):
            _wait_gather(i + b, b)
            _scatter(i + b, b)
            _gather(i + NB + b, b)
        return carry

    lax.fori_loop(0, (NCHUNK - 5) // NB, _trio, 0)

    t = NCHUNK - 5
    _wait_gather(t, 0)
    _scatter(t, 0)
    _gather(t + 3, 0)
    _wait_gather(t + 1, 1)
    _scatter(t + 1, 1)
    _gather(t + 4, 1)
    _wait_gather(t + 2, 2)
    _scatter(t + 2, 2)
    _wait_gather(t + 3, 0)
    _scatter(t + 3, 0)
    _wait_gather(t + 4, 1)
    _scatter(t + 4, 1)

    plsc.subcore_barrier()
    pltpu.sync_copy(acc_sh.at[pl.ds(rbase, RPT)], out_hbm.at[c].at[pl.ds(rbase, RPT)])


def _out_body(accp_ref, xs_ref, dinv_ref, w_ref, b_ref, out_ref):
    y = (accp_ref[0] + accp_ref[1] + xs_ref[...]) * dinv_ref[...]
    out_ref[...] = (
        jnp.dot(y, w_ref[...], preferred_element_type=jnp.float32) + b_ref[...]
    )


def _out_call(accp, xs, dinv, W, b2):
    return pl.pallas_call(
        _out_body,
        grid=((N + _TCBLK - 1) // _TCBLK,),
        in_specs=[
            pl.BlockSpec((NC, _TCBLK, D), lambda i: (0, i, 0)),
            pl.BlockSpec((_TCBLK, D), lambda i: (i, 0)),
            pl.BlockSpec((_TCBLK, 1), lambda i: (i, 0)),
            pl.BlockSpec((D, D), lambda i: (0, 0)),
            pl.BlockSpec((1, D), lambda i: (0, 0)),
        ],
        out_specs=pl.BlockSpec((_TCBLK, D), lambda i: (i, 0)),
        out_shape=jax.ShapeDtypeStruct((N, D), jnp.float32),
    )(accp, xs, dinv, W, b2)


def kernel(x, edge_index, W, b):
    ef = edge_index.reshape(2 * E)
    degp = _deg_kernel(ef)
    dinv, xs = _scale_call(degp, x)
    accp = _scatter_kernel(ef, xs)
    return _out_call(accp, xs, dinv, W, b.reshape(1, D))

# --- scband reference (transcript-rebuilt; emitter-appended) ---
"""Pipeline reference for scband-gcn-35296041238721 (READ-ONLY COPY).

The authoritative reference and input builder live on the scoring server;
editing this copy changes nothing except your own understanding.
"""

import jax, jax.numpy as jnp
import numpy as np

N = 10000
E = 320000
D_IN = 128
D_OUT = 128


def setup_inputs(seed: int = 0) -> dict:
    key = jax.random.key(seed)
    k1, k2, k3 = jax.random.split(key, 3)
    x = jax.random.normal(k1, (N, D_IN), dtype=jnp.float32)
    edge_index = jax.random.randint(k2, (2, E), 0, N, dtype=jnp.int32)
    W = jax.random.normal(k3, (D_IN, D_OUT), dtype=jnp.float32) * (1.0 / np.sqrt(D_IN))
    b = jnp.zeros((D_OUT,), dtype=jnp.float32)
    return {"x": x, "edge_index": edge_index, "W": W, "b": b}


def reference(x, edge_index, W, b):
    # GCNConv: add self-loops, symmetric degree normalization, linear transform,
    # normalized scatter-add aggregation, bias.
    n = x.shape[0]
    loop = jnp.arange(n, dtype=edge_index.dtype)
    src = jnp.concatenate([edge_index[0], loop])
    dst = jnp.concatenate([edge_index[1], loop])
    deg = jnp.zeros((n,), dtype=x.dtype).at[dst].add(1.0)
    deg_inv_sqrt = jnp.where(deg > 0, 1.0 / jnp.sqrt(deg), 0.0)
    norm = deg_inv_sqrt[src] * deg_inv_sqrt[dst]
    h = x @ W
    msg = h[src] * norm[:, None]
    out = jnp.zeros((n, W.shape[1]), dtype=x.dtype).at[dst].add(msg)
    return out + b

if __name__ == "__main__":
    import jax
    _d = setup_inputs()
    print(jax.jit(kernel)(*tuple(_d.values())))

</pallas_src>

<mosaic_0001>
#map = affine_map<(d0, d1) -> (0)>
#map1 = affine_map<(d0, d1) -> (0, 0)>
module attributes {stable_mosaic.version = 14 : i64} {
  func.func @_deg_kernel(%arg0: i32, %arg1: i32, %arg2: memref<640000xi32, #tpu.memory_space<hbm>>, %arg3: memref<32x10000xf32, #tpu.memory_space<hbm>>, %arg4: memref<10000xi32, #tpu.memory_space<vmem>>, %arg5: memref<10112xf32, #tpu.memory_space<vmem>>, %arg6: memref<!tpu.dma_semaphore, #tpu.memory_space<semaphore_mem>>) attributes {dimension_semantics = [#tpu.dimension_semantics<core_parallel>, #tpu.dimension_semantics<subcore_parallel>], iteration_bounds = array<i64: 2, 16>, scalar_prefetch = 0 : i64, scratch_operands = 3 : i64, tpu.core_type = #tpu.core_type<sc_vector_subcore>, window_params = [{transform_indices = #map}, {transform_indices = #map1}]} {
    %mul3A = arith.constant 16 : i32
    %mul3A_0 = arith.muli %arg0, %mul3A : i32
    %add3A = arith.addi %mul3A_0, %arg1 : i32
    %mul3A_1 = arith.constant 10000 : i32
    %mul3A_2 = arith.muli %add3A, %mul3A_1 : i32
    %add3A_3 = arith.constant 320000 : i32
    %add3A_4 = arith.addi %add3A_3, %mul3A_2 : i32
    %multiple_of3A = tpu.assume_multiple %add3A_4, 8 : i32
    %dma_start3A = tpu.memref_slice %arg2[%multiple_of3A] : memref<640000xi32, #tpu.memory_space<hbm>> -> memref<10000xi32, #tpu.memory_space<hbm>>
    %dma_start3A_5 = tpu.memref_slice %arg2[%multiple_of3A] : memref<640000xi32, #tpu.memory_space<hbm>> -> memref<10000xi32, #tpu.memory_space<hbm>>
    tpu.enqueue_dma source(%dma_start3A_5 : memref<10000xi32, #tpu.memory_space<hbm>>) target(%arg4 : memref<10000xi32, #tpu.memory_space<vmem>>) target_semaphore(%arg6 : memref<!tpu.dma_semaphore, #tpu.memory_space<semaphore_mem>>)
    %broadcast_in_dim3A = arith.constant 0.000000e+00 : f32
    %broadcast_in_dim3A_6 = vector.broadcast %broadcast_in_dim3A : f32 to vector<16xf32>
    %scan3A = arith.constant 0 : i32
    %scan3A_7 = arith.constant 0 : i32
    %scan3A_8 = arith.constant 79 : i32
    %scan3A_9 = arith.addi %scan3A_7, %scan3A_8 : i32
    %scan3A_10 = arith.constant 1 : i32
    scf.for %scan3A_21 = %scan3A_7 to %scan3A_9 step %scan3A_10  : i32 {
      %mul3A_22 = arith.constant 8 : i32
      %mul3A_23 = arith.muli %scan3A_21, %mul3A_22 : i32
      %add3A_24 = arith.constant 0 : i32
      %add3A_25 = arith.addi %mul3A_23, %add3A_24 : i32
      %mul3A_26 = arith.constant 16 : i32
      %mul3A_27 = arith.muli %add3A_25, %mul3A_26 : i32
      %swap3A = arith.index_cast %mul3A_27 : i32 to index
      %swap3A_28 = tpu.vector_load %arg5[%swap3A] {strides = array<i32>} : memref<10112xf32, #tpu.memory_space<vmem>>, vector<16xf32>,
      tpu.vector_store %arg5[%swap3A], %broadcast_in_dim3A_6 {strides = array<i32>} : memref<10112xf32, #tpu.memory_space<vmem>>, vector<16xf32>,
      %mul3A_29 = arith.constant 8 : i32
      %mul3A_30 = arith.muli %scan3A_21, %mul3A_29 : i32
      %add3A_31 = arith.constant 1 : i32
      %add3A_32 = arith.addi %mul3A_30, %add3A_31 : i32
      %mul3A_33 = arith.constant 16 : i32
      %mul3A_34 = arith.muli %add3A_32, %mul3A_33 : i32
      %swap3A_35 = arith.index_cast %mul3A_34 : i32 to index
      %swap3A_36 = tpu.vector_load %arg5[%swap3A_35] {strides = array<i32>} : memref<10112xf32, #tpu.memory_space<vmem>>, vector<16xf32>,
      tpu.vector_store %arg5[%swap3A_35], %broadcast_in_dim3A_6 {strides = array<i32>} : memref<10112xf32, #tpu.memory_space<vmem>>, vector<16xf32>,
      %mul3A_37 = arith.constant 8 : i32
      %mul3A_38 = arith.muli %scan3A_21, %mul3A_37 : i32
      %add3A_39 = arith.constant 2 : i32
      %add3A_40 = arith.addi %mul3A_38, %add3A_39 : i32
      %mul3A_41 = arith.constant 16 : i32
      %mul3A_42 = arith.muli %add3A_40, %mul3A_41 : i32
      %swap3A_43 = arith.index_cast %mul3A_42 : i32 to index
      %swap3A_44 = tpu.vector_load %arg5[%swap3A_43] {strides = array<i32>} : memref<10112xf32, #tpu.memory_space<vmem>>, vector<16xf32>,
      tpu.vector_store %arg5[%swap3A_43], %broadcast_in_dim3A_6 {strides = array<i32>} : memref<10112xf32, #tpu.memory_space<vmem>>, vector<16xf32>,
      %mul3A_45 = arith.constant 8 : i32
      %mul3A_46 = arith.muli %scan3A_21, %mul3A_45 : i32
      %add3A_47 = arith.constant 3 : i32
      %add3A_48 = arith.addi %mul3A_46, %add3A_47 : i32
      %mul3A_49 = arith.constant 16 : i32
      %mul3A_50 = arith.muli %add3A_48, %mul3A_49 : i32
      %swap3A_51 = arith.index_cast %mul3A_50 : i32 to index
      %swap3A_52 = tpu.vector_load %arg5[%swap3A_51] {strides = array<i32>} : memref<10112xf32, #tpu.memory_space<vmem>>, vector<16xf32>,
      tpu.vector_store %arg5[%swap3A_51], %broadcast_in_dim3A_6 {strides = array<i32>} : memref<10112xf32, #tpu.memory_space<vmem>>, vector<16xf32>,
      %mul3A_53 = arith.constant 8 : i32
      %mul3A_54 = arith.muli %scan3A_21, %mul3A_53 : i32
      %add3A_55 = arith.constant 4 : i32
      %add3A_56 = arith.addi %mul3A_54, %add3A_55 : i32
      %mul3A_57 = arith.constant 16 : i32
      %mul3A_58 = arith.muli %add3A_56, %mul3A_57 : i32
      %swap3A_59 = arith.index_cast %mul3A_58 : i32 to index
      %swap3A_60 = tpu.vector_load %arg5[%swap3A_59] {strides = array<i32>} : memref<10112xf32, #tpu.memory_space<vmem>>, vector<16xf32>,
      tpu.vector_store %arg5[%swap3A_59], %broadcast_in_dim3A_6 {strides = array<i32>} : memref<10112xf32, #tpu.memory_space<vmem>>, vector<16xf32>,
      %mul3A_61 = arith.constant 8 : i32
      %mul3A_62 = arith.muli %scan3A_21, %mul3A_61 : i32
      %add3A_63 = arith.constant 5 : i32
      %add3A_64 = arith.addi %mul3A_62, %add3A_63 : i32
      %mul3A_65 = arith.constant 16 : i32
      %mul3A_66 = arith.muli %add3A_64, %mul3A_65 : i32
      %swap3A_67 = arith.index_cast %mul3A_66 : i32 to index
      %swap3A_68 = tpu.vector_load %arg5[%swap3A_67] {strides = array<i32>} : memref<10112xf32, #tpu.memory_space<vmem>>, vector<16xf32>,
      tpu.vector_store %arg5[%swap3A_67], %broadcast_in_dim3A_6 {strides = array<i32>} : memref<10112xf32, #tpu.memory_space<vmem>>, vector<16xf32>,
      %mul3A_69 = arith.constant 8 : i32
      %mul3A_70 = arith.muli %scan3A_21, %mul3A_69 : i32
      %add3A_71 = arith.constant 6 : i32
      %add3A_72 = arith.addi %mul3A_70, %add3A_71 : i32
      %mul3A_73 = arith.constant 16 : i32
      %mul3A_74 = arith.muli %add3A_72, %mul3A_73 : i32
      %swap3A_75 = arith.index_cast %mul3A_74 : i32 to index
      %swap3A_76 = tpu.vector_load %arg5[%swap3A_75] {strides = array<i32>} : memref<10112xf32, #tpu.memory_space<vmem>>, vector<16xf32>,
      tpu.vector_store %arg5[%swap3A_75], %broadcast_in_dim3A_6 {strides = array<i32>} : memref<10112xf32, #tpu.memory_space<vmem>>, vector<16xf32>,
      %mul3A_77 = arith.constant 8 : i32
      %mul3A_78 = arith.muli %scan3A_21, %mul3A_77 : i32
      %add3A_79 = arith.constant 7 : i32
      %add3A_80 = arith.addi %mul3A_78, %add3A_79 : i32
      %mul3A_81 = arith.constant 16 : i32
      %mul3A_82 = arith.muli %add3A_80, %mul3A_81 : i32
      %swap3A_83 = arith.index_cast %mul3A_82 : i32 to index
      %swap3A_84 = tpu.vector_load %arg5[%swap3A_83] {strides = array<i32>} : memref<10112xf32, #tpu.memory_space<vmem>>, vector<16xf32>,
      tpu.vector_store %arg5[%swap3A_83], %broadcast_in_dim3A_6 {strides = array<i32>} : memref<10112xf32, #tpu.memory_space<vmem>>, vector<16xf32>,
    }
    %scan3A_11 = arith.constant 79 : i32
    %dma_wait3A = tpu.memref_slice %arg2[%multiple_of3A] : memref<640000xi32, #tpu.memory_space<hbm>> -> memref<10000xi32, #tpu.memory_space<hbm>>
    %dma_wait3A_12 = tpu.memref_slice %arg2[%multiple_of3A] : memref<640000xi32, #tpu.memory_space<hbm>> -> memref<10000xi32, #tpu.memory_space<hbm>>
    tpu.wait_dma2 semaphore(%arg6 : memref<!tpu.dma_semaphore, #tpu.memory_space<semaphore_mem>>) src(%dma_wait3A_12 : memref<10000xi32, #tpu.memory_space<hbm>>) dst(%arg4 : memref<10000xi32, #tpu.memory_space<vmem>>)
    %broadcast_in_dim3A_13 = arith.constant 1.000000e+00 : f32
    %broadcast_in_dim3A_14 = vector.broadcast %broadcast_in_dim3A_13 : f32 to vector<16xf32>
    %scan3A_15 = arith.constant 0 : i32
    %scan3A_16 = arith.constant 0 : i32
    %scan3A_17 = arith.constant 125 : i32
    %scan3A_18 = arith.addi %scan3A_16, %scan3A_17 : i32
    %scan3A_19 = arith.constant 1 : i32
    scf.for %scan3A_21 = %scan3A_16 to %scan3A_18 step %scan3A_19  : i32 {
      %mul3A_22 = arith.constant 5 : i32
      %mul3A_23 = arith.muli %scan3A_21, %mul3A_22 : i32
      %add3A_24 = arith.constant 0 : i32
      %add3A_25 = arith.addi %mul3A_23, %add3A_24 : i32
      %mul3A_26 = arith.constant 16 : i32
      %mul3A_27 = arith.muli %add3A_25, %mul3A_26 : i32
      %get3A = arith.index_cast %mul3A_27 : i32 to index
      %get3A_28 = tpu.vector_load %arg4[%get3A] {strides = array<i32>} : memref<10000xi32, #tpu.memory_space<vmem>>, vector<16xi32>,
      tpu.vector_store_idx %arg5[%get3A_28], %broadcast_in_dim3A_14 {add = true} : memref<10112xf32, #tpu.memory_space<vmem>>[vector<16xi32>], vector<16xf32>,
      %mul3A_29 = arith.constant 5 : i32
      %mul3A_30 = arith.muli %scan3A_21, %mul3A_29 : i32
      %add3A_31 = arith.constant 1 : i32
      %add3A_32 = arith.addi %mul3A_30, %add3A_31 : i32
      %mul3A_33 = arith.constant 16 : i32
      %mul3A_34 = arith.muli %add3A_32, %mul3A_33 : i32
      %get3A_35 = arith.index_cast %mul3A_34 : i32 to index
      %get3A_36 = tpu.vector_load %arg4[%get3A_35] {strides = array<i32>} : memref<10000xi32, #tpu.memory_space<vmem>>, vector<16xi32>,
      tpu.vector_store_idx %arg5[%get3A_36], %broadcast_in_dim3A_14 {add = true} : memref<10112xf32, #tpu.memory_space<vmem>>[vector<16xi32>], vector<16xf32>,
      %mul3A_37 = arith.constant 5 : i32
      %mul3A_38 = arith.muli %scan3A_21, %mul3A_37 : i32
      %add3A_39 = arith.constant 2 : i32
      %add3A_40 = arith.addi %mul3A_38, %add3A_39 : i32
      %mul3A_41 = arith.constant 16 : i32
      %mul3A_42 = arith.muli %add3A_40, %mul3A_41 : i32
      %get3A_43 = arith.index_cast %mul3A_42 : i32 to index
      %get3A_44 = tpu.vector_load %arg4[%get3A_43] {strides = array<i32>} : memref<10000xi32, #tpu.memory_space<vmem>>, vector<16xi32>,
      tpu.vector_store_idx %arg5[%get3A_44], %broadcast_in_dim3A_14 {add = true} : memref<10112xf32, #tpu.memory_space<vmem>>[vector<16xi32>], vector<16xf32>,
      %mul3A_45 = arith.constant 5 : i32
      %mul3A_46 = arith.muli %scan3A_21, %mul3A_45 : i32
      %add3A_47 = arith.constant 3 : i32
      %add3A_48 = arith.addi %mul3A_46, %add3A_47 : i32
      %mul3A_49 = arith.constant 16 : i32
      %mul3A_50 = arith.muli %add3A_48, %mul3A_49 : i32
      %get3A_51 = arith.index_cast %mul3A_50 : i32 to index
      %get3A_52 = tpu.vector_load %arg4[%get3A_51] {strides = array<i32>} : memref<10000xi32, #tpu.memory_space<vmem>>, vector<16xi32>,
      tpu.vector_store_idx %arg5[%get3A_52], %broadcast_in_dim3A_14 {add = true} : memref<10112xf32, #tpu.memory_space<vmem>>[vector<16xi32>], vector<16xf32>,
      %mul3A_53 = arith.constant 5 : i32
      %mul3A_54 = arith.muli %scan3A_21, %mul3A_53 : i32
      %add3A_55 = arith.constant 4 : i32
      %add3A_56 = arith.addi %mul3A_54, %add3A_55 : i32
      %mul3A_57 = arith.constant 16 : i32
      %mul3A_58 = arith.muli %add3A_56, %mul3A_57 : i32
      %get3A_59 = arith.index_cast %mul3A_58 : i32 to index
      %get3A_60 = tpu.vector_load %arg4[%get3A_59] {strides = array<i32>} : memref<10000xi32, #tpu.memory_space<vmem>>, vector<16xi32>,
      tpu.vector_store_idx %arg5[%get3A_60], %broadcast_in_dim3A_14 {add = true} : memref<10112xf32, #tpu.memory_space<vmem>>[vector<16xi32>], vector<16xf32>,
    }
    %scan3A_20 = arith.constant 125 : i32
    "tpu.region"() ({
      %run_scoped3A = tpu.sem_alloc : memref<!tpu.dma_semaphore, #tpu.memory_space<semaphore_mem>>
      %dma_start3A_21 = arith.constant 0 : i32
      %dma_start3A_22 = tpu.memref_slice %arg5[%dma_start3A_21] : memref<10112xf32, #tpu.memory_space<vmem>> -> memref<10000xf32, #tpu.memory_space<vmem>>
      %dma_start3A_23 = arith.constant 0 : i32
      %dma_start3A_24 = tpu.memref_slice %arg3[%add3A, %dma_start3A_23] : memref<32x10000xf32, #tpu.memory_space<hbm>> -> memref<1x10000xf32, #tpu.memory_space<hbm>>
      %dma_start3A_25 = tpu.memref_squeeze %dma_start3A_24 : memref<1x10000xf32, #tpu.memory_space<hbm>> -> memref<10000xf32, #tpu.memory_space<hbm>>
      %dma_start3A_26 = arith.constant 0 : i32
      %dma_start3A_27 = tpu.memref_slice %arg3[%add3A, %dma_start3A_26] : memref<32x10000xf32, #tpu.memory_space<hbm>> -> memref<1x10000xf32, #tpu.memory_space<hbm>>
      %dma_start3A_28 = tpu.memref_squeeze %dma_start3A_27 : memref<1x10000xf32, #tpu.memory_space<hbm>> -> memref<10000xf32, #tpu.memory_space<hbm>>
      %dma_start3A_29 = arith.constant 0 : i32
      %dma_start3A_30 = tpu.memref_slice %arg5[%dma_start3A_29] : memref<10112xf32, #tpu.memory_space<vmem>> -> memref<10000xf32, #tpu.memory_space<vmem>>
      tpu.enqueue_dma source(%dma_start3A_30 : memref<10000xf32, #tpu.memory_space<vmem>>) target(%dma_start3A_28 : memref<10000xf32, #tpu.memory_space<hbm>>) target_semaphore(%run_scoped3A : memref<!tpu.dma_semaphore, #tpu.memory_space<semaphore_mem>>)
      %dma_wait3A_31 = arith.constant 0 : i32
      %dma_wait3A_32 = tpu.memref_slice %arg5[%dma_wait3A_31] : memref<10112xf32, #tpu.memory_space<vmem>> -> memref<10000xf32, #tpu.memory_space<vmem>>
      %dma_wait3A_33 = arith.constant 0 : i32
      %dma_wait3A_34 = tpu.memref_slice %arg3[%add3A, %dma_wait3A_33] : memref<32x10000xf32, #tpu.memory_space<hbm>> -> memref<1x10000xf32, #tpu.memory_space<hbm>>
      %dma_wait3A_35 = tpu.memref_squeeze %dma_wait3A_34 : memref<1x10000xf32, #tpu.memory_space<hbm>> -> memref<10000xf32, #tpu.memory_space<hbm>>
      %dma_wait3A_36 = arith.constant 0 : i32
      %dma_wait3A_37 = tpu.memref_slice %arg3[%add3A, %dma_wait3A_36] : memref<32x10000xf32, #tpu.memory_space<hbm>> -> memref<1x10000xf32, #tpu.memory_space<hbm>>
      %dma_wait3A_38 = tpu.memref_squeeze %dma_wait3A_37 : memref<1x10000xf32, #tpu.memory_space<hbm>> -> memref<10000xf32, #tpu.memory_space<hbm>>
      %dma_wait3A_39 = arith.constant 0 : i32
      %dma_wait3A_40 = tpu.memref_slice %arg5[%dma_wait3A_39] : memref<10112xf32, #tpu.memory_space<vmem>> -> memref<10000xf32, #tpu.memory_space<vmem>>
      tpu.wait_dma2 semaphore(%run_scoped3A : memref<!tpu.dma_semaphore, #tpu.memory_space<semaphore_mem>>) src(%dma_wait3A_40 : memref<10000xf32, #tpu.memory_space<vmem>>) dst(%dma_wait3A_38 : memref<10000xf32, #tpu.memory_space<hbm>>)
      tpu.yield
    }) : () -> ()
    return
  }
}

#map = affine_map<(d0, d1) -> (0)>
#map1 = affine_map<(d0, d1) -> (0, 0)>
#map2 = affine_map<(d0, d1) -> (0, 0, 0)>
module attributes {stable_mosaic.version = 14 : i64} {
  func.func @_scatter_kernel(%arg0: i32, %arg1: i32, %arg2: memref<640000xi32, #tpu.memory_space<hbm>>, %arg3: memref<10000x128xf32, #tpu.memory_space<hbm>>, %arg4: memref<2x10000x128xf32, #tpu.memory_space<hbm>>, %arg5: memref<10000xi32, #tpu.memory_space<vmem>>, %arg6: memref<10000xi32, #tpu.memory_space<vmem>>, %arg7: memref<3x80x128xf32, #tpu.memory_space<vmem>>, %arg8: memref<10000x128xf32, #tpu.memory_space<vmem_shared>>, %arg9: memref<!tpu.dma_semaphore, #tpu.memory_space<semaphore_mem>>, %arg10: memref<!tpu.dma_semaphore, #tpu.memory_space<semaphore_mem>>, %arg11: memref<!tpu.dma_semaphore, #tpu.memory_space<semaphore_mem>>, %arg12: memref<!tpu.dma_semaphore, #tpu.memory_space<semaphore_mem>>, %arg13: memref<!tpu.dma_semaphore, #tpu.memory_space<semaphore_mem>>, %arg14: memref<!tpu.dma_semaphore, #tpu.memory_space<semaphore_mem>>) attributes {dimension_semantics = [#tpu.dimension_semantics<core_parallel>, #tpu.dimension_semantics<subcore_parallel>], iteration_bounds = array<i64: 2, 16>, scalar_prefetch = 0 : i64, scratch_operands = 10 : i64, tpu.core_type = #tpu.core_type<sc_vector_subcore>, window_params = [{transform_indices = #map}, {transform_indices = #map1}, {transform_indices = #map2}]} {
    %mul3A = arith.constant 16 : i32
    %mul3A_0 = arith.muli %arg0, %mul3A : i32
    %add3A = arith.addi %mul3A_0, %arg1 : i32
    %mul3A_1 = arith.constant 10000 : i32
    %mul3A_2 = arith.muli %add3A, %mul3A_1 : i32
    %multiple_of3A = tpu.assume_multiple %mul3A_2, 8 : i32
    %dma_start3A = tpu.memref_slice %arg2[%multiple_of3A] : memref<640000xi32, #tpu.memory_space<hbm>> -> memref<10000xi32, #tpu.memory_space<hbm>>
    %dma_start3A_3 = tpu.memref_slice %arg2[%multiple_of3A] : memref<640000xi32, #tpu.memory_space<hbm>> -> memref<10000xi32, #tpu.memory_space<hbm>>
    tpu.enqueue_dma source(%dma_start3A_3 : memref<10000xi32, #tpu.memory_space<hbm>>) target(%arg5 : memref<10000xi32, #tpu.memory_space<vmem>>) target_semaphore(%arg12 : memref<!tpu.dma_semaphore, #tpu.memory_space<semaphore_mem>>)
    %add3A_4 = arith.constant 320000 : i32
    %add3A_5 = arith.addi %add3A_4, %multiple_of3A : i32
    %dma_start3A_6 = tpu.memref_slice %arg2[%add3A_5] : memref<640000xi32, #tpu.memory_space<hbm>> -> memref<10000xi32, #tpu.memory_space<hbm>>
    %dma_start3A_7 = tpu.memref_slice %arg2[%add3A_5] : memref<640000xi32, #tpu.memory_space<hbm>> -> memref<10000xi32, #tpu.memory_space<hbm>>
    tpu.enqueue_dma source(%dma_start3A_7 : memref<10000xi32, #tpu.memory_space<hbm>>) target(%arg6 : memref<10000xi32, #tpu.memory_space<vmem>>) target_semaphore(%arg13 : memref<!tpu.dma_semaphore, #tpu.memory_space<semaphore_mem>>)
    %dma_wait3A = tpu.memref_slice %arg2[%multiple_of3A] : memref<640000xi32, #tpu.memory_space<hbm>> -> memref<10000xi32, #tpu.memory_space<hbm>>
    %dma_wait3A_8 = tpu.memref_slice %arg2[%multiple_of3A] : memref<640000xi32, #tpu.memory_space<hbm>> -> memref<10000xi32, #tpu.memory_space<hbm>>
    tpu.wait_dma2 semaphore(%arg12 : memref<!tpu.dma_semaphore, #tpu.memory_space<semaphore_mem>>) src(%dma_wait3A_8 : memref<10000xi32, #tpu.memory_space<hbm>>) dst(%arg5 : memref<10000xi32, #tpu.memory_space<vmem>>)
    %dma_wait3A_9 = tpu.memref_slice %arg2[%add3A_5] : memref<640000xi32, #tpu.memory_space<hbm>> -> memref<10000xi32, #tpu.memory_space<hbm>>
    %dma_wait3A_10 = tpu.memref_slice %arg2[%add3A_5] : memref<640000xi32, #tpu.memory_space<hbm>> -> memref<10000xi32, #tpu.memory_space<hbm>>
    tpu.wait_dma2 semaphore(%arg13 : memref<!tpu.dma_semaphore, #tpu.memory_space<semaphore_mem>>) src(%dma_wait3A_10 : memref<10000xi32, #tpu.memory_space<hbm>>) dst(%arg6 : memref<10000xi32, #tpu.memory_space<vmem>>)
    %dma_start3A_11 = arith.constant 1 : i32
    %dma_start3A_12 = arith.constant 0 : i32
    %dma_start3A_13 = arith.constant 0 : i32
    %dma_start3A_14 = tpu.memref_slice %arg7[%dma_start3A_11, %dma_start3A_12, %dma_start3A_13] : memref<3x80x128xf32, #tpu.memory_space<vmem>> -> memref<1x80x128xf32, #tpu.memory_space<vmem>>
    %dma_start3A_15 = tpu.memref_squeeze %dma_start3A_14 : memref<1x80x128xf32, #tpu.memory_space<vmem>> -> memref<80x128xf32, #tpu.memory_space<vmem>>
    %dma_start3A_16 = arith.constant 80 : i32
    %dma_start3A_17 = tpu.memref_slice %arg5[%dma_start3A_16] : memref<10000xi32, #tpu.memory_space<vmem>> -> memref<80xi32, #tpu.memory_space<vmem>>
    %dma_start3A_18 = arith.constant 0 : i32
    %dma_start3A_19 = arith.constant 0 : i32
    %dma_start3A_20 = tpu.memref_slice %arg3[%dma_start3A_18, %dma_start3A_19] : memref<10000x128xf32, #tpu.memory_space<hbm>> -> memref<10000x128xf32, #tpu.memory_space<hbm>>
    tpu.enqueue_indirect_dma source(%dma_start3A_20 : memref<10000x128xf32, #tpu.memory_space<hbm>>) target(%dma_start3A_15 : memref<80x128xf32, #tpu.memory_space<vmem>>) offsets(%dma_start3A_17 : memref<80xi32, #tpu.memory_space<vmem>>) semaphore(%arg10 : memref<!tpu.dma_semaphore, #tpu.memory_space<semaphore_mem>>)
    %dma_start3A_21 = arith.constant 2 : i32
    %dma_start3A_22 = arith.constant 0 : i32
    %dma_start3A_23 = arith.constant 0 : i32
    %dma_start3A_24 = tpu.memref_slice %arg7[%dma_start3A_21, %dma_start3A_22, %dma_start3A_23] : memref<3x80x128xf32, #tpu.memory_space<vmem>> -> memref<1x80x128xf32, #tpu.memory_space<vmem>>
    %dma_start3A_25 = tpu.memref_squeeze %dma_start3A_24 : memref<1x80x128xf32, #tpu.memory_space<vmem>> -> memref<80x128xf32, #tpu.memory_space<vmem>>
    %dma_start3A_26 = arith.constant 160 : i32
    %dma_start3A_27 = tpu.memref_slice %arg5[%dma_start3A_26] : memref<10000xi32, #tpu.memory_space<vmem>> -> memref<80xi32, #tpu.memory_space<vmem>>
    %dma_start3A_28 = arith.constant 0 : i32
    %dma_start3A_29 = arith.constant 0 : i32
    %dma_start3A_30 = tpu.memref_slice %arg3[%dma_start3A_28, %dma_start3A_29] : memref<10000x128xf32, #tpu.memory_space<hbm>> -> memref<10000x128xf32, #tpu.memory_space<hbm>>
    tpu.enqueue_indirect_dma source(%dma_start3A_30 : memref<10000x128xf32, #tpu.memory_space<hbm>>) target(%dma_start3A_25 : memref<80x128xf32, #tpu.memory_space<vmem>>) offsets(%dma_start3A_27 : memref<80xi32, #tpu.memory_space<vmem>>) semaphore(%arg11 : memref<!tpu.dma_semaphore, #tpu.memory_space<semaphore_mem>>)
    %broadcast_in_dim3A = arith.constant 0.000000e+00 : f32
    %broadcast_in_dim3A_31 = vector.broadcast %broadcast_in_dim3A : f32 to vector<16xf32>
    %scan3A = arith.constant 0 : i32
    %scan3A_32 = arith.constant 0 : i32
    %scan3A_33 = arith.constant 0 : i32
    %scan3A_34 = arith.constant 80 : i32
    %scan3A_35 = arith.addi %scan3A_33, %scan3A_34 : i32
    %scan3A_36 = arith.constant 1 : i32
    scf.for %scan3A_250 = %scan3A_33 to %scan3A_35 step %scan3A_36  : i32 {
      %swap3A = arith.constant 0 : i32
      %swap3A_251 = arith.constant 0 : i32
      %swap3A_252 = tpu.memref_slice %arg7[%scan3A_32, %swap3A, %swap3A_251] : memref<3x80x128xf32, #tpu.memory_space<vmem>> -> memref<1x80x128xf32, #tpu.memory_space<vmem>>
      %swap3A_253 = tpu.memref_squeeze %swap3A_252 : memref<1x80x128xf32, #tpu.memory_space<vmem>> -> memref<80x128xf32, #tpu.memory_space<vmem>>
      %swap3A_254 = arith.index_cast %scan3A_250 : i32 to index
      %swap3A_255 = arith.constant 0 : index
      %swap3A_256 = tpu.vector_load %swap3A_253[%swap3A_254, %swap3A_255] {strides = array<i32>} : memref<80x128xf32, #tpu.memory_space<vmem>>, vector<16xf32>,
      tpu.vector_store %swap3A_253[%swap3A_254, %swap3A_255], %broadcast_in_dim3A_31 {strides = array<i32>} : memref<80x128xf32, #tpu.memory_space<vmem>>, vector<16xf32>,
      %swap3A_257 = arith.constant 0 : i32
      %swap3A_258 = arith.constant 0 : i32
      %swap3A_259 = tpu.memref_slice %arg7[%scan3A_32, %swap3A_257, %swap3A_258] : memref<3x80x128xf32, #tpu.memory_space<vmem>> -> memref<1x80x128xf32, #tpu.memory_space<vmem>>
      %swap3A_260 = tpu.memref_squeeze %swap3A_259 : memref<1x80x128xf32, #tpu.memory_space<vmem>> -> memref<80x128xf32, #tpu.memory_space<vmem>>
      %swap3A_261 = arith.index_cast %scan3A_250 : i32 to index
      %swap3A_262 = arith.constant 16 : index
      %swap3A_263 = tpu.vector_load %swap3A_260[%swap3A_261, %swap3A_262] {strides = array<i32>} : memref<80x128xf32, #tpu.memory_space<vmem>>, vector<16xf32>,
      tpu.vector_store %swap3A_260[%swap3A_261, %swap3A_262], %broadcast_in_dim3A_31 {strides = array<i32>} : memref<80x128xf32, #tpu.memory_space<vmem>>, vector<16xf32>,
      %swap3A_264 = arith.constant 0 : i32
      %swap3A_265 = arith.constant 0 : i32
      %swap3A_266 = tpu.memref_slice %arg7[%scan3A_32, %swap3A_264, %swap3A_265] : memref<3x80x128xf32, #tpu.memory_space<vmem>> -> memref<1x80x128xf32, #tpu.memory_space<vmem>>
      %swap3A_267 = tpu.memref_squeeze %swap3A_266 : memref<1x80x128xf32, #tpu.memory_space<vmem>> -> memref<80x128xf32, #tpu.memory_space<vmem>>
      %swap3A_268 = arith.index_cast %scan3A_250 : i32 to index
      %swap3A_269 = arith.constant 32 : index
      %swap3A_270 = tpu.vector_load %swap3A_267[%swap3A_268, %swap3A_269] {strides = array<i32>} : memref<80x128xf32, #tpu.memory_space<vmem>>, vector<16xf32>,
      tpu.vector_store %swap3A_267[%swap3A_268, %swap3A_269], %broadcast_in_dim3A_31 {strides = array<i32>} : memref<80x128xf32, #tpu.memory_space<vmem>>, vector<16xf32>,
      %swap3A_271 = arith.constant 0 : i32
      %swap3A_272 = arith.constant 0 : i32
      %swap3A_273 = tpu.memref_slice %arg7[%scan3A_32, %swap3A_271, %swap3A_272] : memref<3x80x128xf32, #tpu.memory_space<vmem>> -> memref<1x80x128xf32, #tpu.memory_space<vmem>>
      %swap3A_274 = tpu.memref_squeeze %swap3A_273 : memref<1x80x128xf32, #tpu.memory_space<vmem>> -> memref<80x128xf32, #tpu.memory_space<vmem>>
      %swap3A_275 = arith.index_cast %scan3A_250 : i32 to index
      %swap3A_276 = arith.constant 48 : index
      %swap3A_277 = tpu.vector_load %swap3A_274[%swap3A_275, %swap3A_276] {strides = array<i32>} : memref<80x128xf32, #tpu.memory_space<vmem>>, vector<16xf32>,
      tpu.vector_store %swap3A_274[%swap3A_275, %swap3A_276], %broadcast_in_dim3A_31 {strides = array<i32>} : memref<80x128xf32, #tpu.memory_space<vmem>>, vector<16xf32>,
      %swap3A_278 = arith.constant 0 : i32
      %swap3A_279 = arith.constant 0 : i32
      %swap3A_280 = tpu.memref_slice %arg7[%scan3A_32, %swap3A_278, %swap3A_279] : memref<3x80x128xf32, #tpu.memory_space<vmem>> -> memref<1x80x128xf32, #tpu.memory_space<vmem>>
      %swap3A_281 = tpu.memref_squeeze %swap3A_280 : memref<1x80x128xf32, #tpu.memory_space<vmem>> -> memref<80x128xf32, #tpu.memory_space<vmem>>
      %swap3A_282 = arith.index_cast %scan3A_250 : i32 to index
      %swap3A_283 = arith.constant 64 : index
      %swap3A_284 = tpu.vector_load %swap3A_281[%swap3A_282, %swap3A_283] {strides = array<i32>} : memref<80x128xf32, #tpu.memory_space<vmem>>, vector<16xf32>,
      tpu.vector_store %swap3A_281[%swap3A_282, %swap3A_283], %broadcast_in_dim3A_31 {strides = array<i32>} : memref<80x128xf32, #tpu.memory_space<vmem>>, vector<16xf32>,
      %swap3A_285 = arith.constant 0 : i32
      %swap3A_286 = arith.constant 0 : i32
      %swap3A_287 = tpu.memref_slice %arg7[%scan3A_32, %swap3A_285, %swap3A_286] : memref<3x80x128xf32, #tpu.memory_space<vmem>> -> memref<1x80x128xf32, #tpu.memory_space<vmem>>
      %swap3A_288 = tpu.memref_squeeze %swap3A_287 : memref<1x80x128xf32, #tpu.memory_space<vmem>> -> memref<80x128xf32, #tpu.memory_space<vmem>>
      %swap3A_289 = arith.index_cast %scan3A_250 : i32 to index
      %swap3A_290 = arith.constant 80 : index
      %swap3A_291 = tpu.vector_load %swap3A_288[%swap3A_289, %swap3A_290] {strides = array<i32>} : memref<80x128xf32, #tpu.memory_space<vmem>>, vector<16xf32>,
      tpu.vector_store %swap3A_288[%swap3A_289, %swap3A_290], %broadcast_in_dim3A_31 {strides = array<i32>} : memref<80x128xf32, #tpu.memory_space<vmem>>, vector<16xf32>,
      %swap3A_292 = arith.constant 0 : i32
      %swap3A_293 = arith.constant 0 : i32
      %swap3A_294 = tpu.memref_slice %arg7[%scan3A_32, %swap3A_292, %swap3A_293] : memref<3x80x128xf32, #tpu.memory_space<vmem>> -> memref<1x80x128xf32, #tpu.memory_space<vmem>>
      %swap3A_295 = tpu.memref_squeeze %swap3A_294 : memref<1x80x128xf32, #tpu.memory_space<vmem>> -> memref<80x128xf32, #tpu.memory_space<vmem>>
      %swap3A_296 = arith.index_cast %scan3A_250 : i32 to index
      %swap3A_297 = arith.constant 96 : index
      %swap3A_298 = tpu.vector_load %swap3A_295[%swap3A_296, %swap3A_297] {strides = array<i32>} : memref<80x128xf32, #tpu.memory_space<vmem>>, vector<16xf32>,
      tpu.vector_store %swap3A_295[%swap3A_296, %swap3A_297], %broadcast_in_dim3A_31 {strides = array<i32>} : memref<80x128xf32, #tpu.memory_space<vmem>>, vector<16xf32>,
      %swap3A_299 = arith.constant 0 : i32
      %swap3A_300 = arith.constant 0 : i32
      %swap3A_301 = tpu.memref_slice %arg7[%scan3A_32, %swap3A_299, %swap3A_300] : memref<3x80x128xf32, #tpu.memory_space<vmem>> -> memref<1x80x128xf32, #tpu.memory_space<vmem>>
      %swap3A_302 = tpu.memref_squeeze %swap3A_301 : memref<1x80x128xf32, #tpu.memory_space<vmem>> -> memref<80x128xf32, #tpu.memory_space<vmem>>
      %swap3A_303 = arith.index_cast %scan3A_250 : i32 to index
      %swap3A_304 = arith.constant 112 : index
      %swap3A_305 = tpu.vector_load %swap3A_302[%swap3A_303, %swap3A_304] {strides = array<i32>} : memref<80x128xf32, #tpu.memory_space<vmem>>, vector<16xf32>,
      tpu.vector_store %swap3A_302[%swap3A_303, %swap3A_304], %broadcast_in_dim3A_31 {strides = array<i32>} : memref<80x128xf32, #tpu.memory_space<vmem>>, vector<16xf32>,
    }
    %scan3A_37 = arith.constant 80 : i32
    %mul3A_38 = arith.constant 625 : i32
    %mul3A_39 = arith.muli %arg1, %mul3A_38 : i32
    %add3A_40 = arith.constant 0 : i32
    %add3A_41 = arith.addi %mul3A_39, %add3A_40 : i32
    %run_scoped3A = arith.constant 0 : i32
    "tpu.region"() ({
      %run_scoped3A_250 = tpu.sem_alloc : memref<!tpu.dma_semaphore, #tpu.memory_space<semaphore_mem>>
      %dma_start3A_251 = arith.constant 0 : i32
      %dma_start3A_252 = arith.constant 0 : i32
      %dma_start3A_253 = tpu.memref_slice %arg7[%run_scoped3A, %dma_start3A_251, %dma_start3A_252] : memref<3x80x128xf32, #tpu.memory_space<vmem>> -> memref<1x80x128xf32, #tpu.memory_space<vmem>>
      %dma_start3A_254 = tpu.memref_squeeze %dma_start3A_253 : memref<1x80x128xf32, #tpu.memory_space<vmem>> -> memref<80x128xf32, #tpu.memory_space<vmem>>
      %dma_start3A_255 = arith.constant 0 : i32
      %dma_start3A_256 = tpu.memref_slice %arg8[%add3A_41, %dma_start3A_255] : memref<10000x128xf32, #tpu.memory_space<vmem_shared>> -> memref<80x128xf32, #tpu.memory_space<vmem_shared>>
      %dma_start3A_257 = arith.constant 0 : i32
      %dma_start3A_258 = tpu.memref_slice %arg8[%add3A_41, %dma_start3A_257] : memref<10000x128xf32, #tpu.memory_space<vmem_shared>> -> memref<80x128xf32, #tpu.memory_space<vmem_shared>>
      %dma_start3A_259 = arith.constant 0 : i32
      %dma_start3A_260 = arith.constant 0 : i32
      %dma_start3A_261 = tpu.memref_slice %arg7[%run_scoped3A, %dma_start3A_259, %dma_start3A_260] : memref<3x80x128xf32, #tpu.memory_space<vmem>> -> memref<1x80x128xf32, #tpu.memory_space<vmem>>
      %dma_start3A_262 = tpu.memref_squeeze %dma_start3A_261 : memref<1x80x128xf32, #tpu.memory_space<vmem>> -> memref<80x128xf32, #tpu.memory_space<vmem>>
      tpu.enqueue_dma source(%dma_start3A_262 : memref<80x128xf32, #tpu.memory_space<vmem>>) target(%dma_start3A_258 : memref<80x128xf32, #tpu.memory_space<vmem_shared>>) target_semaphore(%run_scoped3A_250 : memref<!tpu.dma_semaphore, #tpu.memory_space<semaphore_mem>>)
      %dma_wait3A_263 = arith.constant 0 : i32
      %dma_wait3A_264 = arith.constant 0 : i32
      %dma_wait3A_265 = tpu.memref_slice %arg7[%run_scoped3A, %dma_wait3A_263, %dma_wait3A_264] : memref<3x80x128xf32, #tpu.memory_space<vmem>> -> memref<1x80x128xf32, #tpu.memory_space<vmem>>
      %dma_wait3A_266 = tpu.memref_squeeze %dma_wait3A_265 : memref<1x80x128xf32, #tpu.memory_space<vmem>> -> memref<80x128xf32, #tpu.memory_space<vmem>>
      %dma_wait3A_267 = arith.constant 0 : i32
      %dma_wait3A_268 = tpu.memref_slice %arg8[%add3A_41, %dma_wait3A_267] : memref<10000x128xf32, #tpu.memory_space<vmem_shared>> -> memref<80x128xf32, #tpu.memory_space<vmem_shared>>
      %dma_wait3A_269 = arith.constant 0 : i32
      %dma_wait3A_270 = tpu.memref_slice %arg8[%add3A_41, %dma_wait3A_269] : memref<10000x128xf32, #tpu.memory_space<vmem_shared>> -> memref<80x128xf32, #tpu.memory_space<vmem_shared>>
      %dma_wait3A_271 = arith.constant 0 : i32
      %dma_wait3A_272 = arith.constant 0 : i32
      %dma_wait3A_273 = tpu.memref_slice %arg7[%run_scoped3A, %dma_wait3A_271, %dma_wait3A_272] : memref<3x80x128xf32, #tpu.memory_space<vmem>> -> memref<1x80x128xf32, #tpu.memory_space<vmem>>
      %dma_wait3A_274 = tpu.memref_squeeze %dma_wait3A_273 : memref<1x80x128xf32, #tpu.memory_space<vmem>> -> memref<80x128xf32, #tpu.memory_space<vmem>>
      tpu.wait_dma2 semaphore(%run_scoped3A_250 : memref<!tpu.dma_semaphore, #tpu.memory_space<semaphore_mem>>) src(%dma_wait3A_274 : memref<80x128xf32, #tpu.memory_space<vmem>>) dst(%dma_wait3A_270 : memref<80x128xf32, #tpu.memory_space<vmem_shared>>)
      tpu.yield
    }) : () -> ()
    %add3A_42 = arith.constant 80 : i32
    %add3A_43 = arith.addi %mul3A_39, %add3A_42 : i32
    %run_scoped3A_44 = arith.constant 0 : i32
    "tpu.region"() ({
      %run_scoped3A_250 = tpu.sem_alloc : memref<!tpu.dma_semaphore, #tpu.memory_space<semaphore_mem>>
      %dma_start3A_251 = arith.constant 0 : i32
      %dma_start3A_252 = arith.constant 0 : i32
      %dma_start3A_253 = tpu.memref_slice %arg7[%run_scoped3A_44, %dma_start3A_251, %dma_start3A_252] : memref<3x80x128xf32, #tpu.memory_space<vmem>> -> memref<1x80x128xf32, #tpu.memory_space<vmem>>
      %dma_start3A_254 = tpu.memref_squeeze %dma_start3A_253 : memref<1x80x128xf32, #tpu.memory_space<vmem>> -> memref<80x128xf32, #tpu.memory_space<vmem>>
      %dma_start3A_255 = arith.constant 0 : i32
      %dma_start3A_256 = tpu.memref_slice %arg8[%add3A_43, %dma_start3A_255] : memref<10000x128xf32, #tpu.memory_space<vmem_shared>> -> memref<80x128xf32, #tpu.memory_space<vmem_shared>>
      %dma_start3A_257 = arith.constant 0 : i32
      %dma_start3A_258 = tpu.memref_slice %arg8[%add3A_43, %dma_start3A_257] : memref<10000x128xf32, #tpu.memory_space<vmem_shared>> -> memref<80x128xf32, #tpu.memory_space<vmem_shared>>
      %dma_start3A_259 = arith.constant 0 : i32
      %dma_start3A_260 = arith.constant 0 : i32
      %dma_start3A_261 = tpu.memref_slice %arg7[%run_scoped3A_44, %dma_start3A_259, %dma_start3A_260] : memref<3x80x128xf32, #tpu.memory_space<vmem>> -> memref<1x80x128xf32, #tpu.memory_space<vmem>>
      %dma_start3A_262 = tpu.memref_squeeze %dma_start3A_261 : memref<1x80x128xf32, #tpu.memory_space<vmem>> -> memref<80x128xf32, #tpu.memory_space<vmem>>
      tpu.enqueue_dma source(%dma_start3A_262 : memref<80x128xf32, #tpu.memory_space<vmem>>) target(%dma_start3A_258 : memref<80x128xf32, #tpu.memory_space<vmem_shared>>) target_semaphore(%run_scoped3A_250 : memref<!tpu.dma_semaphore, #tpu.memory_space<semaphore_mem>>)
      %dma_wait3A_263 = arith.constant 0 : i32
      %dma_wait3A_264 = arith.constant 0 : i32
      %dma_wait3A_265 = tpu.memref_slice %arg7[%run_scoped3A_44, %dma_wait3A_263, %dma_wait3A_264] : memref<3x80x128xf32, #tpu.memory_space<vmem>> -> memref<1x80x128xf32, #tpu.memory_space<vmem>>
      %dma_wait3A_266 = tpu.memref_squeeze %dma_wait3A_265 : memref<1x80x128xf32, #tpu.memory_space<vmem>> -> memref<80x128xf32, #tpu.memory_space<vmem>>
      %dma_wait3A_267 = arith.constant 0 : i32
      %dma_wait3A_268 = tpu.memref_slice %arg8[%add3A_43, %dma_wait3A_267] : memref<10000x128xf32, #tpu.memory_space<vmem_shared>> -> memref<80x128xf32, #tpu.memory_space<vmem_shared>>
      %dma_wait3A_269 = arith.constant 0 : i32
      %dma_wait3A_270 = tpu.memref_slice %arg8[%add3A_43, %dma_wait3A_269] : memref<10000x128xf32, #tpu.memory_space<vmem_shared>> -> memref<80x128xf32, #tpu.memory_space<vmem_shared>>
      %dma_wait3A_271 = arith.constant 0 : i32
      %dma_wait3A_272 = arith.constant 0 : i32
      %dma_wait3A_273 = tpu.memref_slice %arg7[%run_scoped3A_44, %dma_wait3A_271, %dma_wait3A_272] : memref<3x80x128xf32, #tpu.memory_space<vmem>> -> memref<1x80x128xf32, #tpu.memory_space<vmem>>
      %dma_wait3A_274 = tpu.memref_squeeze %dma_wait3A_273 : memref<1x80x128xf32, #tpu.memory_space<vmem>> -> memref<80x128xf32, #tpu.memory_space<vmem>>
      tpu.wait_dma2 semaphore(%run_scoped3A_250 : memref<!tpu.dma_semaphore, #tpu.memory_space<semaphore_mem>>) src(%dma_wait3A_274 : memref<80x128xf32, #tpu.memory_space<vmem>>) dst(%dma_wait3A_270 : memref<80x128xf32, #tpu.memory_space<vmem_shared>>)
      tpu.yield
    }) : () -> ()
    %add3A_45 = arith.constant 160 : i32
    %add3A_46 = arith.addi %mul3A_39, %add3A_45 : i32
    %run_scoped3A_47 = arith.constant 0 : i32
    "tpu.region"() ({
      %run_scoped3A_250 = tpu.sem_alloc : memref<!tpu.dma_semaphore, #tpu.memory_space<semaphore_mem>>
      %dma_start3A_251 = arith.constant 0 : i32
      %dma_start3A_252 = arith.constant 0 : i32
      %dma_start3A_253 = tpu.memref_slice %arg7[%run_scoped3A_47, %dma_start3A_251, %dma_start3A_252] : memref<3x80x128xf32, #tpu.memory_space<vmem>> -> memref<1x80x128xf32, #tpu.memory_space<vmem>>
      %dma_start3A_254 = tpu.memref_squeeze %dma_start3A_253 : memref<1x80x128xf32, #tpu.memory_space<vmem>> -> memref<80x128xf32, #tpu.memory_space<vmem>>
      %dma_start3A_255 = arith.constant 0 : i32
      %dma_start3A_256 = tpu.memref_slice %arg8[%add3A_46, %dma_start3A_255] : memref<10000x128xf32, #tpu.memory_space<vmem_shared>> -> memref<80x128xf32, #tpu.memory_space<vmem_shared>>
      %dma_start3A_257 = arith.constant 0 : i32
      %dma_start3A_258 = tpu.memref_slice %arg8[%add3A_46, %dma_start3A_257] : memref<10000x128xf32, #tpu.memory_space<vmem_shared>> -> memref<80x128xf32, #tpu.memory_space<vmem_shared>>
      %dma_start3A_259 = arith.constant 0 : i32
      %dma_start3A_260 = arith.constant 0 : i32
      %dma_start3A_261 = tpu.memref_slice %arg7[%run_scoped3A_47, %dma_start3A_259, %dma_start3A_260] : memref<3x80x128xf32, #tpu.memory_space<vmem>> -> memref<1x80x128xf32, #tpu.memory_space<vmem>>
      %dma_start3A_262 = tpu.memref_squeeze %dma_start3A_261 : memref<1x80x128xf32, #tpu.memory_space<vmem>> -> memref<80x128xf32, #tpu.memory_space<vmem>>
      tpu.enqueue_dma source(%dma_start3A_262 : memref<80x128xf32, #tpu.memory_space<vmem>>) target(%dma_start3A_258 : memref<80x128xf32, #tpu.memory_space<vmem_shared>>) target_semaphore(%run_scoped3A_250 : memref<!tpu.dma_semaphore, #tpu.memory_space<semaphore_mem>>)
      %dma_wait3A_263 = arith.constant 0 : i32
      %dma_wait3A_264 = arith.constant 0 : i32
      %dma_wait3A_265 = tpu.memref_slice %arg7[%run_scoped3A_47, %dma_wait3A_263, %dma_wait3A_264] : memref<3x80x128xf32, #tpu.memory_space<vmem>> -> memref<1x80x128xf32, #tpu.memory_space<vmem>>
      %dma_wait3A_266 = tpu.memref_squeeze %dma_wait3A_265 : memref<1x80x128xf32, #tpu.memory_space<vmem>> -> memref<80x128xf32, #tpu.memory_space<vmem>>
      %dma_wait3A_267 = arith.constant 0 : i32
      %dma_wait3A_268 = tpu.memref_slice %arg8[%add3A_46, %dma_wait3A_267] : memref<10000x128xf32, #tpu.memory_space<vmem_shared>> -> memref<80x128xf32, #tpu.memory_space<vmem_shared>>
      %dma_wait3A_269 = arith.constant 0 : i32
      %dma_wait3A_270 = tpu.memref_slice %arg8[%add3A_46, %dma_wait3A_269] : memref<10000x128xf32, #tpu.memory_space<vmem_shared>> -> memref<80x128xf32, #tpu.memory_space<vmem_shared>>
      %dma_wait3A_271 = arith.constant 0 : i32
      %dma_wait3A_272 = arith.constant 0 : i32
      %dma_wait3A_273 = tpu.memref_slice %arg7[%run_scoped3A_47, %dma_wait3A_271, %dma_wait3A_272] : memref<3x80x128xf32, #tpu.memory_space<vmem>> -> memref<1x80x128xf32, #tpu.memory_space<vmem>>
      %dma_wait3A_274 = tpu.memref_squeeze %dma_wait3A_273 : memref<1x80x128xf32, #tpu.memory_space<vmem>> -> memref<80x128xf32, #tpu.memory_space<vmem>>
      tpu.wait_dma2 semaphore(%run_scoped3A_250 : memref<!tpu.dma_semaphore, #tpu.memory_space<semaphore_mem>>) src(%dma_wait3A_274 : memref<80x128xf32, #tpu.memory_space<vmem>>) dst(%dma_wait3A_270 : memref<80x128xf32, #tpu.memory_space<vmem_shared>>)
      tpu.yield
    }) : () -> ()
    %add3A_48 = arith.constant 240 : i32
    %add3A_49 = arith.addi %mul3A_39, %add3A_48 : i32
    %run_scoped3A_50 = arith.constant 0 : i32
    "tpu.region"() ({
      %run_scoped3A_250 = tpu.sem_alloc : memref<!tpu.dma_semaphore, #tpu.memory_space<semaphore_mem>>
      %dma_start3A_251 = arith.constant 0 : i32
      %dma_start3A_252 = arith.constant 0 : i32
      %dma_start3A_253 = tpu.memref_slice %arg7[%run_scoped3A_50, %dma_start3A_251, %dma_start3A_252] : memref<3x80x128xf32, #tpu.memory_space<vmem>> -> memref<1x80x128xf32, #tpu.memory_space<vmem>>
      %dma_start3A_254 = tpu.memref_squeeze %dma_start3A_253 : memref<1x80x128xf32, #tpu.memory_space<vmem>> -> memref<80x128xf32, #tpu.memory_space<vmem>>
      %dma_start3A_255 = arith.constant 0 : i32
      %dma_start3A_256 = tpu.memref_slice %arg8[%add3A_49, %dma_start3A_255] : memref<10000x128xf32, #tpu.memory_space<vmem_shared>> -> memref<80x128xf32, #tpu.memory_space<vmem_shared>>
      %dma_start3A_257 = arith.constant 0 : i32
      %dma_start3A_258 = tpu.memref_slice %arg8[%add3A_49, %dma_start3A_257] : memref<10000x128xf32, #tpu.memory_space<vmem_shared>> -> memref<80x128xf32, #tpu.memory_space<vmem_shared>>
      %dma_start3A_259 = arith.constant 0 : i32
      %dma_start3A_260 = arith.constant 0 : i32
      %dma_start3A_261 = tpu.memref_slice %arg7[%run_scoped3A_50, %dma_start3A_259, %dma_start3A_260] : memref<3x80x128xf32, #tpu.memory_space<vmem>> -> memref<1x80x128xf32, #tpu.memory_space<vmem>>
      %dma_start3A_262 = tpu.memref_squeeze %dma_start3A_261 : memref<1x80x128xf32, #tpu.memory_space<vmem>> -> memref<80x128xf32, #tpu.memory_space<vmem>>
      tpu.enqueue_dma source(%dma_start3A_262 : memref<80x128xf32, #tpu.memory_space<vmem>>) target(%dma_start3A_258 : memref<80x128xf32, #tpu.memory_space<vmem_shared>>) target_semaphore(%run_scoped3A_250 : memref<!tpu.dma_semaphore, #tpu.memory_space<semaphore_mem>>)
      %dma_wait3A_263 = arith.constant 0 : i32
      %dma_wait3A_264 = arith.constant 0 : i32
      %dma_wait3A_265 = tpu.memref_slice %arg7[%run_scoped3A_50, %dma_wait3A_263, %dma_wait3A_264] : memref<3x80x128xf32, #tpu.memory_space<vmem>> -> memref<1x80x128xf32, #tpu.memory_space<vmem>>
      %dma_wait3A_266 = tpu.memref_squeeze %dma_wait3A_265 : memref<1x80x128xf32, #tpu.memory_space<vmem>> -> memref<80x128xf32, #tpu.memory_space<vmem>>
      %dma_wait3A_267 = arith.constant 0 : i32
      %dma_wait3A_268 = tpu.memref_slice %arg8[%add3A_49, %dma_wait3A_267] : memref<10000x128xf32, #tpu.memory_space<vmem_shared>> -> memref<80x128xf32, #tpu.memory_space<vmem_shared>>
      %dma_wait3A_269 = arith.constant 0 : i32
      %dma_wait3A_270 = tpu.memref_slice %arg8[%add3A_49, %dma_wait3A_269] : memref<10000x128xf32, #tpu.memory_space<vmem_shared>> -> memref<80x128xf32, #tpu.memory_space<vmem_shared>>
      %dma_wait3A_271 = arith.constant 0 : i32
      %dma_wait3A_272 = arith.constant 0 : i32
      %dma_wait3A_273 = tpu.memref_slice %arg7[%run_scoped3A_50, %dma_wait3A_271, %dma_wait3A_272] : memref<3x80x128xf32, #tpu.memory_space<vmem>> -> memref<1x80x128xf32, #tpu.memory_space<vmem>>
      %dma_wait3A_274 = tpu.memref_squeeze %dma_wait3A_273 : memref<1x80x128xf32, #tpu.memory_space<vmem>> -> memref<80x128xf32, #tpu.memory_space<vmem>>
      tpu.wait_dma2 semaphore(%run_scoped3A_250 : memref<!tpu.dma_semaphore, #tpu.memory_space<semaphore_mem>>) src(%dma_wait3A_274 : memref<80x128xf32, #tpu.memory_space<vmem>>) dst(%dma_wait3A_270 : memref<80x128xf32, #tpu.memory_space<vmem_shared>>)
      tpu.yield
    }) : () -> ()
    %add3A_51 = arith.constant 320 : i32
    %add3A_52 = arith.addi %mul3A_39, %add3A_51 : i32
    %run_scoped3A_53 = arith.constant 0 : i32
    "tpu.region"() ({
      %run_scoped3A_250 = tpu.sem_alloc : memref<!tpu.dma_semaphore, #tpu.memory_space<semaphore_mem>>
      %dma_start3A_251 = arith.constant 0 : i32
      %dma_start3A_252 = arith.constant 0 : i32
      %dma_start3A_253 = tpu.memref_slice %arg7[%run_scoped3A_53, %dma_start3A_251, %dma_start3A_252] : memref<3x80x128xf32, #tpu.memory_space<vmem>> -> memref<1x80x128xf32, #tpu.memory_space<vmem>>
      %dma_start3A_254 = tpu.memref_squeeze %dma_start3A_253 : memref<1x80x128xf32, #tpu.memory_space<vmem>> -> memref<80x128xf32, #tpu.memory_space<vmem>>
      %dma_start3A_255 = arith.constant 0 : i32
      %dma_start3A_256 = tpu.memref_slice %arg8[%add3A_52, %dma_start3A_255] : memref<10000x128xf32, #tpu.memory_space<vmem_shared>> -> memref<80x128xf32, #tpu.memory_space<vmem_shared>>
      %dma_start3A_257 = arith.constant 0 : i32
      %dma_start3A_258 = tpu.memref_slice %arg8[%add3A_52, %dma_start3A_257] : memref<10000x128xf32, #tpu.memory_space<vmem_shared>> -> memref<80x128xf32, #tpu.memory_space<vmem_shared>>
      %dma_start3A_259 = arith.constant 0 : i32
      %dma_start3A_260 = arith.constant 0 : i32
      %dma_start3A_261 = tpu.memref_slice %arg7[%run_scoped3A_53, %dma_start3A_259, %dma_start3A_260] : memref<3x80x128xf32, #tpu.memory_space<vmem>> -> memref<1x80x128xf32, #tpu.memory_space<vmem>>
      %dma_start3A_262 = tpu.memref_squeeze %dma_start3A_261 : memref<1x80x128xf32, #tpu.memory_space<vmem>> -> memref<80x128xf32, #tpu.memory_space<vmem>>
      tpu.enqueue_dma source(%dma_start3A_262 : memref<80x128xf32, #tpu.memory_space<vmem>>) target(%dma_start3A_258 : memref<80x128xf32, #tpu.memory_space<vmem_shared>>) target_semaphore(%run_scoped3A_250 : memref<!tpu.dma_semaphore, #tpu.memory_space<semaphore_mem>>)
      %dma_wait3A_263 = arith.constant 0 : i32
      %dma_wait3A_264 = arith.constant 0 : i32
      %dma_wait3A_265 = tpu.memref_slice %arg7[%run_scoped3A_53, %dma_wait3A_263, %dma_wait3A_264] : memref<3x80x128xf32, #tpu.memory_space<vmem>> -> memref<1x80x128xf32, #tpu.memory_space<vmem>>
      %dma_wait3A_266 = tpu.memref_squeeze %dma_wait3A_265 : memref<1x80x128xf32, #tpu.memory_space<vmem>> -> memref<80x128xf32, #tpu.memory_space<vmem>>
      %dma_wait3A_267 = arith.constant 0 : i32
      %dma_wait3A_268 = tpu.memref_slice %arg8[%add3A_52, %dma_wait3A_267] : memref<10000x128xf32, #tpu.memory_space<vmem_shared>> -> memref<80x128xf32, #tpu.memory_space<vmem_shared>>
      %dma_wait3A_269 = arith.constant 0 : i32
      %dma_wait3A_270 = tpu.memref_slice %arg8[%add3A_52, %dma_wait3A_269] : memref<10000x128xf32, #tpu.memory_space<vmem_shared>> -> memref<80x128xf32, #tpu.memory_space<vmem_shared>>
      %dma_wait3A_271 = arith.constant 0 : i32
      %dma_wait3A_272 = arith.constant 0 : i32
      %dma_wait3A_273 = tpu.memref_slice %arg7[%run_scoped3A_53, %dma_wait3A_271, %dma_wait3A_272] : memref<3x80x128xf32, #tpu.memory_space<vmem>> -> memref<1x80x128xf32, #tpu.memory_space<vmem>>
      %dma_wait3A_274 = tpu.memref_squeeze %dma_wait3A_273 : memref<1x80x128xf32, #tpu.memory_space<vmem>> -> memref<80x128xf32, #tpu.memory_space<vmem>>
      tpu.wait_dma2 semaphore(%run_scoped3A_250 : memref<!tpu.dma_semaphore, #tpu.memory_space<semaphore_mem>>) src(%dma_wait3A_274 : memref<80x128xf32, #tpu.memory_space<vmem>>) dst(%dma_wait3A_270 : memref<80x128xf32, #tpu.memory_space<vmem_shared>>)
      tpu.yield
    }) : () -> ()
    %add3A_54 = arith.constant 400 : i32
    %add3A_55 = arith.addi %mul3A_39, %add3A_54 : i32
    %run_scoped3A_56 = arith.constant 0 : i32
    "tpu.region"() ({
      %run_scoped3A_250 = tpu.sem_alloc : memref<!tpu.dma_semaphore, #tpu.memory_space<semaphore_mem>>
      %dma_start3A_251 = arith.constant 0 : i32
      %dma_start3A_252 = arith.constant 0 : i32
      %dma_start3A_253 = tpu.memref_slice %arg7[%run_scoped3A_56, %dma_start3A_251, %dma_start3A_252] : memref<3x80x128xf32, #tpu.memory_space<vmem>> -> memref<1x80x128xf32, #tpu.memory_space<vmem>>
      %dma_start3A_254 = tpu.memref_squeeze %dma_start3A_253 : memref<1x80x128xf32, #tpu.memory_space<vmem>> -> memref<80x128xf32, #tpu.memory_space<vmem>>
      %dma_start3A_255 = arith.constant 0 : i32
      %dma_start3A_256 = tpu.memref_slice %arg8[%add3A_55, %dma_start3A_255] : memref<10000x128xf32, #tpu.memory_space<vmem_shared>> -> memref<80x128xf32, #tpu.memory_space<vmem_shared>>
      %dma_start3A_257 = arith.constant 0 : i32
      %dma_start3A_258 = tpu.memref_slice %arg8[%add3A_55, %dma_start3A_257] : memref<10000x128xf32, #tpu.memory_space<vmem_shared>> -> memref<80x128xf32, #tpu.memory_space<vmem_shared>>
      %dma_start3A_259 = arith.constant 0 : i32
      %dma_start3A_260 = arith.constant 0 : i32
      %dma_start3A_261 = tpu.memref_slice %arg7[%run_scoped3A_56, %dma_start3A_259, %dma_start3A_260] : memref<3x80x128xf32, #tpu.memory_space<vmem>> -> memref<1x80x128xf32, #tpu.memory_space<vmem>>
      %dma_start3A_262 = tpu.memref_squeeze %dma_start3A_261 : memref<1x80x128xf32, #tpu.memory_space<vmem>> -> memref<80x128xf32, #tpu.memory_space<vmem>>
      tpu.enqueue_dma source(%dma_start3A_262 : memref<80x128xf32, #tpu.memory_space<vmem>>) target(%dma_start3A_258 : memref<80x128xf32, #tpu.memory_space<vmem_shared>>) target_semaphore(%run_scoped3A_250 : memref<!tpu.dma_semaphore, #tpu.memory_space<semaphore_mem>>)
      %dma_wait3A_263 = arith.constant 0 : i32
      %dma_wait3A_264 = arith.constant 0 : i32
      %dma_wait3A_265 = tpu.memref_slice %arg7[%run_scoped3A_56, %dma_wait3A_263, %dma_wait3A_264] : memref<3x80x128xf32, #tpu.memory_space<vmem>> -> memref<1x80x128xf32, #tpu.memory_space<vmem>>
      %dma_wait3A_266 = tpu.memref_squeeze %dma_wait3A_265 : memref<1x80x128xf32, #tpu.memory_space<vmem>> -> memref<80x128xf32, #tpu.memory_space<vmem>>
      %dma_wait3A_267 = arith.constant 0 : i32
      %dma_wait3A_268 = tpu.memref_slice %arg8[%add3A_55, %dma_wait3A_267] : memref<10000x128xf32, #tpu.memory_space<vmem_shared>> -> memref<80x128xf32, #tpu.memory_space<vmem_shared>>
      %dma_wait3A_269 = arith.constant 0 : i32
      %dma_wait3A_270 = tpu.memref_slice %arg8[%add3A_55, %dma_wait3A_269] : memref<10000x128xf32, #tpu.memory_space<vmem_shared>> -> memref<80x128xf32, #tpu.memory_space<vmem_shared>>
      %dma_wait3A_271 = arith.constant 0 : i32
      %dma_wait3A_272 = arith.constant 0 : i32
      %dma_wait3A_273 = tpu.memref_slice %arg7[%run_scoped3A_56, %dma_wait3A_271, %dma_wait3A_272] : memref<3x80x128xf32, #tpu.memory_space<vmem>> -> memref<1x80x128xf32, #tpu.memory_space<vmem>>
      %dma_wait3A_274 = tpu.memref_squeeze %dma_wait3A_273 : memref<1x80x128xf32, #tpu.memory_space<vmem>> -> memref<80x128xf32, #tpu.memory_space<vmem>>
      tpu.wait_dma2 semaphore(%run_scoped3A_250 : memref<!tpu.dma_semaphore, #tpu.memory_space<semaphore_mem>>) src(%dma_wait3A_274 : memref<80x128xf32, #tpu.memory_space<vmem>>) dst(%dma_wait3A_270 : memref<80x128xf32, #tpu.memory_space<vmem_shared>>)
      tpu.yield
    }) : () -> ()
    %add3A_57 = arith.constant 480 : i32
    %add3A_58 = arith.addi %mul3A_39, %add3A_57 : i32
    %run_scoped3A_59 = arith.constant 0 : i32
    "tpu.region"() ({
      %run_scoped3A_250 = tpu.sem_alloc : memref<!tpu.dma_semaphore, #tpu.memory_space<semaphore_mem>>
      %dma_start3A_251 = arith.constant 0 : i32
      %dma_start3A_252 = arith.constant 0 : i32
      %dma_start3A_253 = tpu.memref_slice %arg7[%run_scoped3A_59, %dma_start3A_251, %dma_start3A_252] : memref<3x80x128xf32, #tpu.memory_space<vmem>> -> memref<1x80x128xf32, #tpu.memory_space<vmem>>
      %dma_start3A_254 = tpu.memref_squeeze %dma_start3A_253 : memref<1x80x128xf32, #tpu.memory_space<vmem>> -> memref<80x128xf32, #tpu.memory_space<vmem>>
      %dma_start3A_255 = arith.constant 0 : i32
      %dma_start3A_256 = tpu.memref_slice %arg8[%add3A_58, %dma_start3A_255] : memref<10000x128xf32, #tpu.memory_space<vmem_shared>> -> memref<80x128xf32, #tpu.memory_space<vmem_shared>>
      %dma_start3A_257 = arith.constant 0 : i32
      %dma_start3A_258 = tpu.memref_slice %arg8[%add3A_58, %dma_start3A_257] : memref<10000x128xf32, #tpu.memory_space<vmem_shared>> -> memref<80x128xf32, #tpu.memory_space<vmem_shared>>
      %dma_start3A_259 = arith.constant 0 : i32
      %dma_start3A_260 = arith.constant 0 : i32
      %dma_start3A_261 = tpu.memref_slice %arg7[%run_scoped3A_59, %dma_start3A_259, %dma_start3A_260] : memref<3x80x128xf32, #tpu.memory_space<vmem>> -> memref<1x80x128xf32, #tpu.memory_space<vmem>>
      %dma_start3A_262 = tpu.memref_squeeze %dma_start3A_261 : memref<1x80x128xf32, #tpu.memory_space<vmem>> -> memref<80x128xf32, #tpu.memory_space<vmem>>
      tpu.enqueue_dma source(%dma_start3A_262 : memref<80x128xf32, #tpu.memory_space<vmem>>) target(%dma_start3A_258 : memref<80x128xf32, #tpu.memory_space<vmem_shared>>) target_semaphore(%run_scoped3A_250 : memref<!tpu.dma_semaphore, #tpu.memory_space<semaphore_mem>>)
      %dma_wait3A_263 = arith.constant 0 : i32
      %dma_wait3A_264 = arith.constant 0 : i32
      %dma_wait3A_265 = tpu.memref_slice %arg7[%run_scoped3A_59, %dma_wait3A_263, %dma_wait3A_264] : memref<3x80x128xf32, #tpu.memory_space<vmem>> -> memref<1x80x128xf32, #tpu.memory_space<vmem>>
      %dma_wait3A_266 = tpu.memref_squeeze %dma_wait3A_265 : memref<1x80x128xf32, #tpu.memory_space<vmem>> -> memref<80x128xf32, #tpu.memory_space<vmem>>
      %dma_wait3A_267 = arith.constant 0 : i32
      %dma_wait3A_268 = tpu.memref_slice %arg8[%add3A_58, %dma_wait3A_267] : memref<10000x128xf32, #tpu.memory_space<vmem_shared>> -> memref<80x128xf32, #tpu.memory_space<vmem_shared>>
      %dma_wait3A_269 = arith.constant 0 : i32
      %dma_wait3A_270 = tpu.memref_slice %arg8[%add3A_58, %dma_wait3A_269] : memref<10000x128xf32, #tpu.memory_space<vmem_shared>> -> memref<80x128xf32, #tpu.memory_space<vmem_shared>>
      %dma_wait3A_271 = arith.constant 0 : i32
      %dma_wait3A_272 = arith.constant 0 : i32
      %dma_wait3A_273 = tpu.memref_slice %arg7[%run_scoped3A_59, %dma_wait3A_271, %dma_wait3A_272] : memref<3x80x128xf32, #tpu.memory_space<vmem>> -> memref<1x80x128xf32, #tpu.memory_space<vmem>>
      %dma_wait3A_274 = tpu.memref_squeeze %dma_wait3A_273 : memref<1x80x128xf32, #tpu.memory_space<vmem>> -> memref<80x128xf32, #tpu.memory_space<vmem>>
      tpu.wait_dma2 semaphore(%run_scoped3A_250 : memref<!tpu.dma_semaphore, #tpu.memory_space<semaphore_mem>>) src(%dma_wait3A_274 : memref<80x128xf32, #tpu.memory_space<vmem>>) dst(%dma_wait3A_270 : memref<80x128xf32, #tpu.memory_space<vmem_shared>>)
      tpu.yield
    }) : () -> ()
    %add3A_60 = arith.constant 560 : i32
    %add3A_61 = arith.addi %mul3A_39, %add3A_60 : i32
    %run_scoped3A_62 = arith.constant 0 : i32
    "tpu.region"() ({
      %run_scoped3A_250 = tpu.sem_alloc : memref<!tpu.dma_semaphore, #tpu.memory_space<semaphore_mem>>
      %dma_start3A_251 = arith.constant 0 : i32
      %dma_start3A_252 = arith.constant 0 : i32
      %dma_start3A_253 = tpu.memref_slice %arg7[%run_scoped3A_62, %dma_start3A_251, %dma_start3A_252] : memref<3x80x128xf32, #tpu.memory_space<vmem>> -> memref<1x80x128xf32, #tpu.memory_space<vmem>>
      %dma_start3A_254 = tpu.memref_squeeze %dma_start3A_253 : memref<1x80x128xf32, #tpu.memory_space<vmem>> -> memref<80x128xf32, #tpu.memory_space<vmem>>
      %dma_start3A_255 = arith.constant 0 : i32
      %dma_start3A_256 = arith.constant 0 : i32
      %dma_start3A_257 = tpu.memref_slice %dma_start3A_254[%dma_start3A_255, %dma_start3A_256] : memref<80x128xf32, #tpu.memory_space<vmem>> -> memref<65x128xf32, #tpu.memory_space<vmem>>
      %dma_start3A_258 = arith.constant 0 : i32
      %dma_start3A_259 = tpu.memref_slice %arg8[%add3A_61, %dma_start3A_258] : memref<10000x128xf32, #tpu.memory_space<vmem_shared>> -> memref<65x128xf32, #tpu.memory_space<vmem_shared>>
      %dma_start3A_260 = arith.constant 0 : i32
      %dma_start3A_261 = tpu.memref_slice %arg8[%add3A_61, %dma_start3A_260] : memref<10000x128xf32, #tpu.memory_space<vmem_shared>> -> memref<65x128xf32, #tpu.memory_space<vmem_shared>>
      %dma_start3A_262 = arith.constant 0 : i32
      %dma_start3A_263 = arith.constant 0 : i32
      %dma_start3A_264 = tpu.memref_slice %arg7[%run_scoped3A_62, %dma_start3A_262, %dma_start3A_263] : memref<3x80x128xf32, #tpu.memory_space<vmem>> -> memref<1x80x128xf32, #tpu.memory_space<vmem>>
      %dma_start3A_265 = tpu.memref_squeeze %dma_start3A_264 : memref<1x80x128xf32, #tpu.memory_space<vmem>> -> memref<80x128xf32, #tpu.memory_space<vmem>>
      %dma_start3A_266 = arith.constant 0 : i32
      %dma_start3A_267 = arith.constant 0 : i32
      %dma_start3A_268 = tpu.memref_slice %dma_start3A_265[%dma_start3A_266, %dma_start3A_267] : memref<80x128xf32, #tpu.memory_space<vmem>> -> memref<65x128xf32, #tpu.memory_space<vmem>>
      tpu.enqueue_dma source(%dma_start3A_268 : memref<65x128xf32, #tpu.memory_space<vmem>>) target(%dma_start3A_261 : memref<65x128xf32, #tpu.memory_space<vmem_shared>>) target_semaphore(%run_scoped3A_250 : memref<!tpu.dma_semaphore, #tpu.memory_space<semaphore_mem>>)
      %dma_wait3A_269 = arith.constant 0 : i32
      %dma_wait3A_270 = arith.constant 0 : i32
      %dma_wait3A_271 = tpu.memref_slice %arg7[%run_scoped3A_62, %dma_wait3A_269, %dma_wait3A_270] : memref<3x80x128xf32, #tpu.memory_space<vmem>> -> memref<1x80x128xf32, #tpu.memory_space<vmem>>
      %dma_wait3A_272 = tpu.memref_squeeze %dma_wait3A_271 : memref<1x80x128xf32, #tpu.memory_space<vmem>> -> memref<80x128xf32, #tpu.memory_space<vmem>>
      %dma_wait3A_273 = arith.constant 0 : i32
      %dma_wait3A_274 = arith.constant 0 : i32
      %dma_wait3A_275 = tpu.memref_slice %dma_wait3A_272[%dma_wait3A_273, %dma_wait3A_274] : memref<80x128xf32, #tpu.memory_space<vmem>> -> memref<65x128xf32, #tpu.memory_space<vmem>>
      %dma_wait3A_276 = arith.constant 0 : i32
      %dma_wait3A_277 = tpu.memref_slice %arg8[%add3A_61, %dma_wait3A_276] : memref<10000x128xf32, #tpu.memory_space<vmem_shared>> -> memref<65x128xf32, #tpu.memory_space<vmem_shared>>
      %dma_wait3A_278 = arith.constant 0 : i32
      %dma_wait3A_279 = tpu.memref_slice %arg8[%add3A_61, %dma_wait3A_278] : memref<10000x128xf32, #tpu.memory_space<vmem_shared>> -> memref<65x128xf32, #tpu.memory_space<vmem_shared>>
      %dma_wait3A_280 = arith.constant 0 : i32
      %dma_wait3A_281 = arith.constant 0 : i32
      %dma_wait3A_282 = tpu.memref_slice %arg7[%run_scoped3A_62, %dma_wait3A_280, %dma_wait3A_281] : memref<3x80x128xf32, #tpu.memory_space<vmem>> -> memref<1x80x128xf32, #tpu.memory_space<vmem>>
      %dma_wait3A_283 = tpu.memref_squeeze %dma_wait3A_282 : memref<1x80x128xf32, #tpu.memory_space<vmem>> -> memref<80x128xf32, #tpu.memory_space<vmem>>
      %dma_wait3A_284 = arith.constant 0 : i32
      %dma_wait3A_285 = arith.constant 0 : i32
      %dma_wait3A_286 = tpu.memref_slice %dma_wait3A_283[%dma_wait3A_284, %dma_wait3A_285] : memref<80x128xf32, #tpu.memory_space<vmem>> -> memref<65x128xf32, #tpu.memory_space<vmem>>
      tpu.wait_dma2 semaphore(%run_scoped3A_250 : memref<!tpu.dma_semaphore, #tpu.memory_space<semaphore_mem>>) src(%dma_wait3A_286 : memref<65x128xf32, #tpu.memory_space<vmem>>) dst(%dma_wait3A_279 : memref<65x128xf32, #tpu.memory_space<vmem_shared>>)
      tpu.yield
    }) : () -> ()
    %dma_start3A_63 = arith.constant 0 : i32
    %dma_start3A_64 = arith.constant 0 : i32
    %dma_start3A_65 = arith.constant 0 : i32
    %dma_start3A_66 = tpu.memref_slice %arg7[%dma_start3A_63, %dma_start3A_64, %dma_start3A_65] : memref<3x80x128xf32, #tpu.memory_space<vmem>> -> memref<1x80x128xf32, #tpu.memory_space<vmem>>
    %dma_start3A_67 = tpu.memref_squeeze %dma_start3A_66 : memref<1x80x128xf32, #tpu.memory_space<vmem>> -> memref<80x128xf32, #tpu.memory_space<vmem>>
    %dma_start3A_68 = arith.constant 0 : i32
    %dma_start3A_69 = tpu.memref_slice %arg5[%dma_start3A_68] : memref<10000xi32, #tpu.memory_space<vmem>> -> memref<80xi32, #tpu.memory_space<vmem>>
    %dma_start3A_70 = arith.constant 0 : i32
    %dma_start3A_71 = arith.constant 0 : i32
    %dma_start3A_72 = tpu.memref_slice %arg3[%dma_start3A_70, %dma_start3A_71] : memref<10000x128xf32, #tpu.memory_space<hbm>> -> memref<10000x128xf32, #tpu.memory_space<hbm>>
    tpu.enqueue_indirect_dma source(%dma_start3A_72 : memref<10000x128xf32, #tpu.memory_space<hbm>>) target(%dma_start3A_67 : memref<80x128xf32, #tpu.memory_space<vmem>>) offsets(%dma_start3A_69 : memref<80xi32, #tpu.memory_space<vmem>>) semaphore(%arg9 : memref<!tpu.dma_semaphore, #tpu.memory_space<semaphore_mem>>)
    %barrier3A = arith.constant 0 : index
    tpu.barrier barrier_id(%barrier3A)
    %scan3A_73 = arith.constant 0 : i32
    %scan3A_74 = arith.constant 0 : i32
    %scan3A_75 = arith.constant 40 : i32
    %scan3A_76 = arith.addi %scan3A_74, %scan3A_75 : i32
    %scan3A_77 = arith.constant 1 : i32
    scf.for %scan3A_250 = %scan3A_74 to %scan3A_76 step %scan3A_77  : i32 {
      %mul3A_251 = arith.constant 3 : i32
      %mul3A_252 = arith.muli %scan3A_250, %mul3A_251 : i32
      %add3A_253 = arith.constant 0 : i32
      %add3A_254 = arith.addi %mul3A_252, %add3A_253 : i32
      %mul3A_255 = arith.constant 80 : i32
      %mul3A_256 = arith.muli %add3A_254, %mul3A_255 : i32
      %dma_wait3A_257 = arith.constant 0 : i32
      %dma_wait3A_258 = arith.constant 0 : i32
      %dma_wait3A_259 = arith.constant 0 : i32
      %dma_wait3A_260 = tpu.memref_slice %arg7[%dma_wait3A_257, %dma_wait3A_258, %dma_wait3A_259] : memref<3x80x128xf32, #tpu.memory_space<vmem>> -> memref<1x80x128xf32, #tpu.memory_space<vmem>>
      %dma_wait3A_261 = tpu.memref_squeeze %dma_wait3A_260 : memref<1x80x128xf32, #tpu.memory_space<vmem>> -> memref<80x128xf32, #tpu.memory_space<vmem>>
      %dma_wait3A_262 = tpu.memref_slice %arg5[%mul3A_256] : memref<10000xi32, #tpu.memory_space<vmem>> -> memref<80xi32, #tpu.memory_space<vmem>>
      %dma_wait3A_263 = arith.constant 0 : i32
      %dma_wait3A_264 = arith.constant 0 : i32
      %dma_wait3A_265 = tpu.memref_slice %arg3[%dma_wait3A_263, %dma_wait3A_264] : memref<10000x128xf32, #tpu.memory_space<hbm>> -> memref<10000x128xf32, #tpu.memory_space<hbm>>
      tpu.wait_indirect_dma semaphore(%arg9 : memref<!tpu.dma_semaphore, #tpu.memory_space<semaphore_mem>>) src(%dma_wait3A_265 : memref<10000x128xf32, #tpu.memory_space<hbm>>) dst(%dma_wait3A_261 : memref<80x128xf32, #tpu.memory_space<vmem>>)
      %add3A_266 = arith.constant 0 : i32
      %add3A_267 = arith.addi %mul3A_252, %add3A_266 : i32
      %mul3A_268 = arith.constant 80 : i32
      %mul3A_269 = arith.muli %add3A_267, %mul3A_268 : i32
      %dma_start3A_270 = arith.constant 0 : i32
      %dma_start3A_271 = arith.constant 0 : i32
      %dma_start3A_272 = arith.constant 0 : i32
      %dma_start3A_273 = tpu.memref_slice %arg7[%dma_start3A_270, %dma_start3A_271, %dma_start3A_272] : memref<3x80x128xf32, #tpu.memory_space<vmem>> -> memref<1x80x128xf32, #tpu.memory_space<vmem>>
      %dma_start3A_274 = tpu.memref_squeeze %dma_start3A_273 : memref<1x80x128xf32, #tpu.memory_space<vmem>> -> memref<80x128xf32, #tpu.memory_space<vmem>>
      %dma_start3A_275 = tpu.memref_slice %arg6[%mul3A_269] : memref<10000xi32, #tpu.memory_space<vmem>> -> memref<80xi32, #tpu.memory_space<vmem>>
      %dma_start3A_276 = arith.constant 0 : i32
      %dma_start3A_277 = arith.constant 0 : i32
      %dma_start3A_278 = tpu.memref_slice %arg8[%dma_start3A_276, %dma_start3A_277] : memref<10000x128xf32, #tpu.memory_space<vmem_shared>> -> memref<10000x128xf32, #tpu.memory_space<vmem_shared>>
      tpu.enqueue_indirect_dma source(%dma_start3A_274 : memref<80x128xf32, #tpu.memory_space<vmem>>) target(%dma_start3A_278 : memref<10000x128xf32, #tpu.memory_space<vmem_shared>>) offsets(%dma_start3A_275 : memref<80xi32, #tpu.memory_space<vmem>>) semaphore(%arg12 : memref<!tpu.dma_semaphore, #tpu.memory_space<semaphore_mem>>) {add = true}
      %dma_wait3A_279 = arith.constant 0 : i32
      %dma_wait3A_280 = arith.constant 0 : i32
      %dma_wait3A_281 = arith.constant 0 : i32
      %dma_wait3A_282 = tpu.memref_slice %arg7[%dma_wait3A_279, %dma_wait3A_280, %dma_wait3A_281] : memref<3x80x128xf32, #tpu.memory_space<vmem>> -> memref<1x80x128xf32, #tpu.memory_space<vmem>>
      %dma_wait3A_283 = tpu.memref_squeeze %dma_wait3A_282 : memref<1x80x128xf32, #tpu.memory_space<vmem>> -> memref<80x128xf32, #tpu.memory_space<vmem>>
      %dma_wait3A_284 = tpu.memref_slice %arg6[%mul3A_269] : memref<10000xi32, #tpu.memory_space<vmem>> -> memref<80xi32, #tpu.memory_space<vmem>>
      %dma_wait3A_285 = arith.constant 0 : i32
      %dma_wait3A_286 = arith.constant 0 : i32
      %dma_wait3A_287 = tpu.memref_slice %arg8[%dma_wait3A_285, %dma_wait3A_286] : memref<10000x128xf32, #tpu.memory_space<vmem_shared>> -> memref<10000x128xf32, #tpu.memory_space<vmem_shared>>
      tpu.wait_indirect_dma semaphore(%arg12 : memref<!tpu.dma_semaphore, #tpu.memory_space<semaphore_mem>>) src(%dma_wait3A_283 : memref<80x128xf32, #tpu.memory_space<vmem>>) dst(%dma_wait3A_287 : memref<10000x128xf32, #tpu.memory_space<vmem_shared>>)
      %add3A_288 = arith.constant 3 : i32
      %add3A_289 = arith.addi %mul3A_252, %add3A_288 : i32
      %add3A_290 = arith.constant 0 : i32
      %add3A_291 = arith.addi %add3A_289, %add3A_290 : i32
      %mul3A_292 = arith.constant 80 : i32
      %mul3A_293 = arith.muli %add3A_291, %mul3A_292 : i32
      %dma_start3A_294 = arith.constant 0 : i32
      %dma_start3A_295 = arith.constant 0 : i32
      %dma_start3A_296 = arith.constant 0 : i32
      %dma_start3A_297 = tpu.memref_slice %arg7[%dma_start3A_294, %dma_start3A_295, %dma_start3A_296] : memref<3x80x128xf32, #tpu.memory_space<vmem>> -> memref<1x80x128xf32, #tpu.memory_space<vmem>>
      %dma_start3A_298 = tpu.memref_squeeze %dma_start3A_297 : memref<1x80x128xf32, #tpu.memory_space<vmem>> -> memref<80x128xf32, #tpu.memory_space<vmem>>
      %dma_start3A_299 = tpu.memref_slice %arg5[%mul3A_293] : memref<10000xi32, #tpu.memory_space<vmem>> -> memref<80xi32, #tpu.memory_space<vmem>>
      %dma_start3A_300 = arith.constant 0 : i32
      %dma_start3A_301 = arith.constant 0 : i32
      %dma_start3A_302 = tpu.memref_slice %arg3[%dma_start3A_300, %dma_start3A_301] : memref<10000x128xf32, #tpu.memory_space<hbm>> -> memref<10000x128xf32, #tpu.memory_space<hbm>>
      tpu.enqueue_indirect_dma source(%dma_start3A_302 : memref<10000x128xf32, #tpu.memory_space<hbm>>) target(%dma_start3A_298 : memref<80x128xf32, #tpu.memory_space<vmem>>) offsets(%dma_start3A_299 : memref<80xi32, #tpu.memory_space<vmem>>) semaphore(%arg9 : memref<!tpu.dma_semaphore, #tpu.memory_space<semaphore_mem>>)
      %add3A_303 = arith.constant 1 : i32
      %add3A_304 = arith.addi %mul3A_252, %add3A_303 : i32
      %mul3A_305 = arith.constant 80 : i32
      %mul3A_306 = arith.muli %add3A_304, %mul3A_305 : i32
      %dma_wait3A_307 = arith.constant 1 : i32
      %dma_wait3A_308 = arith.constant 0 : i32
      %dma_wait3A_309 = arith.constant 0 : i32
      %dma_wait3A_310 = tpu.memref_slice %arg7[%dma_wait3A_307, %dma_wait3A_308, %dma_wait3A_309] : memref<3x80x128xf32, #tpu.memory_space<vmem>> -> memref<1x80x128xf32, #tpu.memory_space<vmem>>
      %dma_wait3A_311 = tpu.memref_squeeze %dma_wait3A_310 : memref<1x80x128xf32, #tpu.memory_space<vmem>> -> memref<80x128xf32, #tpu.memory_space<vmem>>
      %dma_wait3A_312 = tpu.memref_slice %arg5[%mul3A_306] : memref<10000xi32, #tpu.memory_space<vmem>> -> memref<80xi32, #tpu.memory_space<vmem>>
      %dma_wait3A_313 = arith.constant 0 : i32
      %dma_wait3A_314 = arith.constant 0 : i32
      %dma_wait3A_315 = tpu.memref_slice %arg3[%dma_wait3A_313, %dma_wait3A_314] : memref<10000x128xf32, #tpu.memory_space<hbm>> -> memref<10000x128xf32, #tpu.memory_space<hbm>>
      tpu.wait_indirect_dma semaphore(%arg10 : memref<!tpu.dma_semaphore, #tpu.memory_space<semaphore_mem>>) src(%dma_wait3A_315 : memref<10000x128xf32, #tpu.memory_space<hbm>>) dst(%dma_wait3A_311 : memref<80x128xf32, #tpu.memory_space<vmem>>)
      %add3A_316 = arith.constant 1 : i32
      %add3A_317 = arith.addi %mul3A_252, %add3A_316 : i32
      %mul3A_318 = arith.constant 80 : i32
      %mul3A_319 = arith.muli %add3A_317, %mul3A_318 : i32
      %dma_start3A_320 = arith.constant 1 : i32
      %dma_start3A_321 = arith.constant 0 : i32
      %dma_start3A_322 = arith.constant 0 : i32
      %dma_start3A_323 = tpu.memref_slice %arg7[%dma_start3A_320, %dma_start3A_321, %dma_start3A_322] : memref<3x80x128xf32, #tpu.memory_space<vmem>> -> memref<1x80x128xf32, #tpu.memory_space<vmem>>
      %dma_start3A_324 = tpu.memref_squeeze %dma_start3A_323 : memref<1x80x128xf32, #tpu.memory_space<vmem>> -> memref<80x128xf32, #tpu.memory_space<vmem>>
      %dma_start3A_325 = tpu.memref_slice %arg6[%mul3A_319] : memref<10000xi32, #tpu.memory_space<vmem>> -> memref<80xi32, #tpu.memory_space<vmem>>
      %dma_start3A_326 = arith.constant 0 : i32
      %dma_start3A_327 = arith.constant 0 : i32
      %dma_start3A_328 = tpu.memref_slice %arg8[%dma_start3A_326, %dma_start3A_327] : memref<10000x128xf32, #tpu.memory_space<vmem_shared>> -> memref<10000x128xf32, #tpu.memory_space<vmem_shared>>
      tpu.enqueue_indirect_dma source(%dma_start3A_324 : memref<80x128xf32, #tpu.memory_space<vmem>>) target(%dma_start3A_328 : memref<10000x128xf32, #tpu.memory_space<vmem_shared>>) offsets(%dma_start3A_325 : memref<80xi32, #tpu.memory_space<vmem>>) semaphore(%arg13 : memref<!tpu.dma_semaphore, #tpu.memory_space<semaphore_mem>>) {add = true}
      %dma_wait3A_329 = arith.constant 1 : i32
      %dma_wait3A_330 = arith.constant 0 : i32
      %dma_wait3A_331 = arith.constant 0 : i32
      %dma_wait3A_332 = tpu.memref_slice %arg7[%dma_wait3A_329, %dma_wait3A_330, %dma_wait3A_331] : memref<3x80x128xf32, #tpu.memory_space<vmem>> -> memref<1x80x128xf32, #tpu.memory_space<vmem>>
      %dma_wait3A_333 = tpu.memref_squeeze %dma_wait3A_332 : memref<1x80x128xf32, #tpu.memory_space<vmem>> -> memref<80x128xf32, #tpu.memory_space<vmem>>
      %dma_wait3A_334 = tpu.memref_slice %arg6[%mul3A_319] : memref<10000xi32, #tpu.memory_space<vmem>> -> memref<80xi32, #tpu.memory_space<vmem>>
      %dma_wait3A_335 = arith.constant 0 : i32
      %dma_wait3A_336 = arith.constant 0 : i32
      %dma_wait3A_337 = tpu.memref_slice %arg8[%dma_wait3A_335, %dma_wait3A_336] : memref<10000x128xf32, #tpu.memory_space<vmem_shared>> -> memref<10000x128xf32, #tpu.memory_space<vmem_shared>>
      tpu.wait_indirect_dma semaphore(%arg13 : memref<!tpu.dma_semaphore, #tpu.memory_space<semaphore_mem>>) src(%dma_wait3A_333 : memref<80x128xf32, #tpu.memory_space<vmem>>) dst(%dma_wait3A_337 : memref<10000x128xf32, #tpu.memory_space<vmem_shared>>)
      %add3A_338 = arith.constant 3 : i32
      %add3A_339 = arith.addi %mul3A_252, %add3A_338 : i32
      %add3A_340 = arith.constant 1 : i32
      %add3A_341 = arith.addi %add3A_339, %add3A_340 : i32
      %mul3A_342 = arith.constant 80 : i32
      %mul3A_343 = arith.muli %add3A_341, %mul3A_342 : i32
      %dma_start3A_344 = arith.constant 1 : i32
      %dma_start3A_345 = arith.constant 0 : i32
      %dma_start3A_346 = arith.constant 0 : i32
      %dma_start3A_347 = tpu.memref_slice %arg7[%dma_start3A_344, %dma_start3A_345, %dma_start3A_346] : memref<3x80x128xf32, #tpu.memory_space<vmem>> -> memref<1x80x128xf32, #tpu.memory_space<vmem>>
      %dma_start3A_348 = tpu.memref_squeeze %dma_start3A_347 : memref<1x80x128xf32, #tpu.memory_space<vmem>> -> memref<80x128xf32, #tpu.memory_space<vmem>>
      %dma_start3A_349 = tpu.memref_slice %arg5[%mul3A_343] : memref<10000xi32, #tpu.memory_space<vmem>> -> memref<80xi32, #tpu.memory_space<vmem>>
      %dma_start3A_350 = arith.constant 0 : i32
      %dma_start3A_351 = arith.constant 0 : i32
      %dma_start3A_352 = tpu.memref_slice %arg3[%dma_start3A_350, %dma_start3A_351] : memref<10000x128xf32, #tpu.memory_space<hbm>> -> memref<10000x128xf32, #tpu.memory_space<hbm>>
      tpu.enqueue_indirect_dma source(%dma_start3A_352 : memref<10000x128xf32, #tpu.memory_space<hbm>>) target(%dma_start3A_348 : memref<80x128xf32, #tpu.memory_space<vmem>>) offsets(%dma_start3A_349 : memref<80xi32, #tpu.memory_space<vmem>>) semaphore(%arg10 : memref<!tpu.dma_semaphore, #tpu.memory_space<semaphore_mem>>)
      %add3A_353 = arith.constant 2 : i32
      %add3A_354 = arith.addi %mul3A_252, %add3A_353 : i32
      %mul3A_355 = arith.constant 80 : i32
      %mul3A_356 = arith.muli %add3A_354, %mul3A_355 : i32
      %dma_wait3A_357 = arith.constant 2 : i32
      %dma_wait3A_358 = arith.constant 0 : i32
      %dma_wait3A_359 = arith.constant 0 : i32
      %dma_wait3A_360 = tpu.memref_slice %arg7[%dma_wait3A_357, %dma_wait3A_358, %dma_wait3A_359] : memref<3x80x128xf32, #tpu.memory_space<vmem>> -> memref<1x80x128xf32, #tpu.memory_space<vmem>>
      %dma_wait3A_361 = tpu.memref_squeeze %dma_wait3A_360 : memref<1x80x128xf32, #tpu.memory_space<vmem>> -> memref<80x128xf32, #tpu.memory_space<vmem>>
      %dma_wait3A_362 = tpu.memref_slice %arg5[%mul3A_356] : memref<10000xi32, #tpu.memory_space<vmem>> -> memref<80xi32, #tpu.memory_space<vmem>>
      %dma_wait3A_363 = arith.constant 0 : i32
      %dma_wait3A_364 = arith.constant 0 : i32
      %dma_wait3A_365 = tpu.memref_slice %arg3[%dma_wait3A_363, %dma_wait3A_364] : memref<10000x128xf32, #tpu.memory_space<hbm>> -> memref<10000x128xf32, #tpu.memory_space<hbm>>
      tpu.wait_indirect_dma semaphore(%arg11 : memref<!tpu.dma_semaphore, #tpu.memory_space<semaphore_mem>>) src(%dma_wait3A_365 : memref<10000x128xf32, #tpu.memory_space<hbm>>) dst(%dma_wait3A_361 : memref<80x128xf32, #tpu.memory_space<vmem>>)
      %add3A_366 = arith.constant 2 : i32
      %add3A_367 = arith.addi %mul3A_252, %add3A_366 : i32
      %mul3A_368 = arith.constant 80 : i32
      %mul3A_369 = arith.muli %add3A_367, %mul3A_368 : i32
      %dma_start3A_370 = arith.constant 2 : i32
      %dma_start3A_371 = arith.constant 0 : i32
      %dma_start3A_372 = arith.constant 0 : i32
      %dma_start3A_373 = tpu.memref_slice %arg7[%dma_start3A_370, %dma_start3A_371, %dma_start3A_372] : memref<3x80x128xf32, #tpu.memory_space<vmem>> -> memref<1x80x128xf32, #tpu.memory_space<vmem>>
      %dma_start3A_374 = tpu.memref_squeeze %dma_start3A_373 : memref<1x80x128xf32, #tpu.memory_space<vmem>> -> memref<80x128xf32, #tpu.memory_space<vmem>>
      %dma_start3A_375 = tpu.memref_slice %arg6[%mul3A_369] : memref<10000xi32, #tpu.memory_space<vmem>> -> memref<80xi32, #tpu.memory_space<vmem>>
      %dma_start3A_376 = arith.constant 0 : i32
      %dma_start3A_377 = arith.constant 0 : i32
      %dma_start3A_378 = tpu.memref_slice %arg8[%dma_start3A_376, %dma_start3A_377] : memref<10000x128xf32, #tpu.memory_space<vmem_shared>> -> memref<10000x128xf32, #tpu.memory_space<vmem_shared>>
      tpu.enqueue_indirect_dma source(%dma_start3A_374 : memref<80x128xf32, #tpu.memory_space<vmem>>) target(%dma_start3A_378 : memref<10000x128xf32, #tpu.memory_space<vmem_shared>>) offsets(%dma_start3A_375 : memref<80xi32, #tpu.memory_space<vmem>>) semaphore(%arg14 : memref<!tpu.dma_semaphore, #tpu.memory_space<semaphore_mem>>) {add = true}
      %dma_wait3A_379 = arith.constant 2 : i32
      %dma_wait3A_380 = arith.constant 0 : i32
      %dma_wait3A_381 = arith.constant 0 : i32
      %dma_wait3A_382 = tpu.memref_slice %arg7[%dma_wait3A_379, %dma_wait3A_380, %dma_wait3A_381] : memref<3x80x128xf32, #tpu.memory_space<vmem>> -> memref<1x80x128xf32, #tpu.memory_space<vmem>>
      %dma_wait3A_383 = tpu.memref_squeeze %dma_wait3A_382 : memref<1x80x128xf32, #tpu.memory_space<vmem>> -> memref<80x128xf32, #tpu.memory_space<vmem>>
      %dma_wait3A_384 = tpu.memref_slice %arg6[%mul3A_369] : memref<10000xi32, #tpu.memory_space<vmem>> -> memref<80xi32, #tpu.memory_space<vmem>>
      %dma_wait3A_385 = arith.constant 0 : i32
      %dma_wait3A_386 = arith.constant 0 : i32
      %dma_wait3A_387 = tpu.memref_slice %arg8[%dma_wait3A_385, %dma_wait3A_386] : memref<10000x128xf32, #tpu.memory_space<vmem_shared>> -> memref<10000x128xf32, #tpu.memory_space<vmem_shared>>
      tpu.wait_indirect_dma semaphore(%arg14 : memref<!tpu.dma_semaphore, #tpu.memory_space<semaphore_mem>>) src(%dma_wait3A_383 : memref<80x128xf32, #tpu.memory_space<vmem>>) dst(%dma_wait3A_387 : memref<10000x128xf32, #tpu.memory_space<vmem_shared>>)
      %add3A_388 = arith.constant 3 : i32
      %add3A_389 = arith.addi %mul3A_252, %add3A_388 : i32
      %add3A_390 = arith.constant 2 : i32
      %add3A_391 = arith.addi %add3A_389, %add3A_390 : i32
      %mul3A_392 = arith.constant 80 : i32
      %mul3A_393 = arith.muli %add3A_391, %mul3A_392 : i32
      %dma_start3A_394 = arith.constant 2 : i32
      %dma_start3A_395 = arith.constant 0 : i32
      %dma_start3A_396 = arith.constant 0 : i32
      %dma_start3A_397 = tpu.memref_slice %arg7[%dma_start3A_394, %dma_start3A_395, %dma_start3A_396] : memref<3x80x128xf32, #tpu.memory_space<vmem>> -> memref<1x80x128xf32, #tpu.memory_space<vmem>>
      %dma_start3A_398 = tpu.memref_squeeze %dma_start3A_397 : memref<1x80x128xf32, #tpu.memory_space<vmem>> -> memref<80x128xf32, #tpu.memory_space<vmem>>
      %dma_start3A_399 = tpu.memref_slice %arg5[%mul3A_393] : memref<10000xi32, #tpu.memory_space<vmem>> -> memref<80xi32, #tpu.memory_space<vmem>>
      %dma_start3A_400 = arith.constant 0 : i32
      %dma_start3A_401 = arith.constant 0 : i32
      %dma_start3A_402 = tpu.memref_slice %arg3[%dma_start3A_400, %dma_start3A_401] : memref<10000x128xf32, #tpu.memory_space<hbm>> -> memref<10000x128xf32, #tpu.memory_space<hbm>>
      tpu.enqueue_indirect_dma source(%dma_start3A_402 : memref<10000x128xf32, #tpu.memory_space<hbm>>) target(%dma_start3A_398 : memref<80x128xf32, #tpu.memory_space<vmem>>) offsets(%dma_start3A_399 : memref<80xi32, #tpu.memory_space<vmem>>) semaphore(%arg11 : memref<!tpu.dma_semaphore, #tpu.memory_space<semaphore_mem>>)
    }
    %scan3A_78 = arith.constant 40 : i32
    %dma_wait3A_79 = arith.constant 0 : i32
    %dma_wait3A_80 = arith.constant 0 : i32
    %dma_wait3A_81 = arith.constant 0 : i32
    %dma_wait3A_82 = tpu.memref_slice %arg7[%dma_wait3A_79, %dma_wait3A_80, %dma_wait3A_81] : memref<3x80x128xf32, #tpu.memory_space<vmem>> -> memref<1x80x128xf32, #tpu.memory_space<vmem>>
    %dma_wait3A_83 = tpu.memref_squeeze %dma_wait3A_82 : memref<1x80x128xf32, #tpu.memory_space<vmem>> -> memref<80x128xf32, #tpu.memory_space<vmem>>
    %dma_wait3A_84 = arith.constant 9600 : i32
    %dma_wait3A_85 = tpu.memref_slice %arg5[%dma_wait3A_84] : memref<10000xi32, #tpu.memory_space<vmem>> -> memref<80xi32, #tpu.memory_space<vmem>>
    %dma_wait3A_86 = arith.constant 0 : i32
    %dma_wait3A_87 = arith.constant 0 : i32
    %dma_wait3A_88 = tpu.memref_slice %arg3[%dma_wait3A_86, %dma_wait3A_87] : memref<10000x128xf32, #tpu.memory_space<hbm>> -> memref<10000x128xf32, #tpu.memory_space<hbm>>
    tpu.wait_indirect_dma semaphore(%arg9 : memref<!tpu.dma_semaphore, #tpu.memory_space<semaphore_mem>>) src(%dma_wait3A_88 : memref<10000x128xf32, #tpu.memory_space<hbm>>) dst(%dma_wait3A_83 : memref<80x128xf32, #tpu.memory_space<vmem>>)
    %dma_start3A_89 = arith.constant 0 : i32
    %dma_start3A_90 = arith.constant 0 : i32
    %dma_start3A_91 = arith.constant 0 : i32
    %dma_start3A_92 = tpu.memref_slice %arg7[%dma_start3A_89, %dma_start3A_90, %dma_start3A_91] : memref<3x80x128xf32, #tpu.memory_space<vmem>> -> memref<1x80x128xf32, #tpu.memory_space<vmem>>
    %dma_start3A_93 = tpu.memref_squeeze %dma_start3A_92 : memref<1x80x128xf32, #tpu.memory_space<vmem>> -> memref<80x128xf32, #tpu.memory_space<vmem>>
    %dma_start3A_94 = arith.constant 9600 : i32
    %dma_start3A_95 = tpu.memref_slice %arg6[%dma_start3A_94] : memref<10000xi32, #tpu.memory_space<vmem>> -> memref<80xi32, #tpu.memory_space<vmem>>
    %dma_start3A_96 = arith.constant 0 : i32
    %dma_start3A_97 = arith.constant 0 : i32
    %dma_start3A_98 = tpu.memref_slice %arg8[%dma_start3A_96, %dma_start3A_97] : memref<10000x128xf32, #tpu.memory_space<vmem_shared>> -> memref<10000x128xf32, #tpu.memory_space<vmem_shared>>
    tpu.enqueue_indirect_dma source(%dma_start3A_93 : memref<80x128xf32, #tpu.memory_space<vmem>>) target(%dma_start3A_98 : memref<10000x128xf32, #tpu.memory_space<vmem_shared>>) offsets(%dma_start3A_95 : memref<80xi32, #tpu.memory_space<vmem>>) semaphore(%arg12 : memref<!tpu.dma_semaphore, #tpu.memory_space<semaphore_mem>>) {add = true}
    %dma_wait3A_99 = arith.constant 0 : i32
    %dma_wait3A_100 = arith.constant 0 : i32
    %dma_wait3A_101 = arith.constant 0 : i32
    %dma_wait3A_102 = tpu.memref_slice %arg7[%dma_wait3A_99, %dma_wait3A_100, %dma_wait3A_101] : memref<3x80x128xf32, #tpu.memory_space<vmem>> -> memref<1x80x128xf32, #tpu.memory_space<vmem>>
    %dma_wait3A_103 = tpu.memref_squeeze %dma_wait3A_102 : memref<1x80x128xf32, #tpu.memory_space<vmem>> -> memref<80x128xf32, #tpu.memory_space<vmem>>
    %dma_wait3A_104 = arith.constant 9600 : i32
    %dma_wait3A_105 = tpu.memref_slice %arg6[%dma_wait3A_104] : memref<10000xi32, #tpu.memory_space<vmem>> -> memref<80xi32, #tpu.memory_space<vmem>>
    %dma_wait3A_106 = arith.constant 0 : i32
    %dma_wait3A_107 = arith.constant 0 : i32
    %dma_wait3A_108 = tpu.memref_slice %arg8[%dma_wait3A_106, %dma_wait3A_107] : memref<10000x128xf32, #tpu.memory_space<vmem_shared>> -> memref<10000x128xf32, #tpu.memory_space<vmem_shared>>
    tpu.wait_indirect_dma semaphore(%arg12 : memref<!tpu.dma_semaphore, #tpu.memory_space<semaphore_mem>>) src(%dma_wait3A_103 : memref<80x128xf32, #tpu.memory_space<vmem>>) dst(%dma_wait3A_108 : memref<10000x128xf32, #tpu.memory_space<vmem_shared>>)
    %dma_start3A_109 = arith.constant 0 : i32
    %dma_start3A_110 = arith.constant 0 : i32
    %dma_start3A_111 = arith.constant 0 : i32
    %dma_start3A_112 = tpu.memref_slice %arg7[%dma_start3A_109, %dma_start3A_110, %dma_start3A_111] : memref<3x80x128xf32, #tpu.memory_space<vmem>> -> memref<1x80x128xf32, #tpu.memory_space<vmem>>
    %dma_start3A_113 = tpu.memref_squeeze %dma_start3A_112 : memref<1x80x128xf32, #tpu.memory_space<vmem>> -> memref<80x128xf32, #tpu.memory_space<vmem>>
    %dma_start3A_114 = arith.constant 9840 : i32
    %dma_start3A_115 = tpu.memref_slice %arg5[%dma_start3A_114] : memref<10000xi32, #tpu.memory_space<vmem>> -> memref<80xi32, #tpu.memory_space<vmem>>
    %dma_start3A_116 = arith.constant 0 : i32
    %dma_start3A_117 = arith.constant 0 : i32
    %dma_start3A_118 = tpu.memref_slice %arg3[%dma_start3A_116, %dma_start3A_117] : memref<10000x128xf32, #tpu.memory_space<hbm>> -> memref<10000x128xf32, #tpu.memory_space<hbm>>
    tpu.enqueue_indirect_dma source(%dma_start3A_118 : memref<10000x128xf32, #tpu.memory_space<hbm>>) target(%dma_start3A_113 : memref<80x128xf32, #tpu.memory_space<vmem>>) offsets(%dma_start3A_115 : memref<80xi32, #tpu.memory_space<vmem>>) semaphore(%arg9 : memref<!tpu.dma_semaphore, #tpu.memory_space<semaphore_mem>>)
    %dma_wait3A_119 = arith.constant 1 : i32
    %dma_wait3A_120 = arith.constant 0 : i32
    %dma_wait3A_121 = arith.constant 0 : i32
    %dma_wait3A_122 = tpu.memref_slice %arg7[%dma_wait3A_119, %dma_wait3A_120, %dma_wait3A_121] : memref<3x80x128xf32, #tpu.memory_space<vmem>> -> memref<1x80x128xf32, #tpu.memory_space<vmem>>
    %dma_wait3A_123 = tpu.memref_squeeze %dma_wait3A_122 : memref<1x80x128xf32, #tpu.memory_space<vmem>> -> memref<80x128xf32, #tpu.memory_space<vmem>>
    %dma_wait3A_124 = arith.constant 9680 : i32
    %dma_wait3A_125 = tpu.memref_slice %arg5[%dma_wait3A_124] : memref<10000xi32, #tpu.memory_space<vmem>> -> memref<80xi32, #tpu.memory_space<vmem>>
    %dma_wait3A_126 = arith.constant 0 : i32
    %dma_wait3A_127 = arith.constant 0 : i32
    %dma_wait3A_128 = tpu.memref_slice %arg3[%dma_wait3A_126, %dma_wait3A_127] : memref<10000x128xf32, #tpu.memory_space<hbm>> -> memref<10000x128xf32, #tpu.memory_space<hbm>>
    tpu.wait_indirect_dma semaphore(%arg10 : memref<!tpu.dma_semaphore, #tpu.memory_space<semaphore_mem>>) src(%dma_wait3A_128 : memref<10000x128xf32, #tpu.memory_space<hbm>>) dst(%dma_wait3A_123 : memref<80x128xf32, #tpu.memory_space<vmem>>)
    %dma_start3A_129 = arith.constant 1 : i32
    %dma_start3A_130 = arith.constant 0 : i32
    %dma_start3A_131 = arith.constant 0 : i32
    %dma_start3A_132 = tpu.memref_slice %arg7[%dma_start3A_129, %dma_start3A_130, %dma_start3A_131] : memref<3x80x128xf32, #tpu.memory_space<vmem>> -> memref<1x80x128xf32, #tpu.memory_space<vmem>>
    %dma_start3A_133 = tpu.memref_squeeze %dma_start3A_132 : memref<1x80x128xf32, #tpu.memory_space<vmem>> -> memref<80x128xf32, #tpu.memory_space<vmem>>
    %dma_start3A_134 = arith.constant 9680 : i32
    %dma_start3A_135 = tpu.memref_slice %arg6[%dma_start3A_134] : memref<10000xi32, #tpu.memory_space<vmem>> -> memref<80xi32, #tpu.memory_space<vmem>>
    %dma_start3A_136 = arith.constant 0 : i32
    %dma_start3A_137 = arith.constant 0 : i32
    %dma_start3A_138 = tpu.memref_slice %arg8[%dma_start3A_136, %dma_start3A_137] : memref<10000x128xf32, #tpu.memory_space<vmem_shared>> -> memref<10000x128xf32, #tpu.memory_space<vmem_shared>>
    tpu.enqueue_indirect_dma source(%dma_start3A_133 : memref<80x128xf32, #tpu.memory_space<vmem>>) target(%dma_start3A_138 : memref<10000x128xf32, #tpu.memory_space<vmem_shared>>) offsets(%dma_start3A_135 : memref<80xi32, #tpu.memory_space<vmem>>) semaphore(%arg13 : memref<!tpu.dma_semaphore, #tpu.memory_space<semaphore_mem>>) {add = true}
    %dma_wait3A_139 = arith.constant 1 : i32
    %dma_wait3A_140 = arith.constant 0 : i32
    %dma_wait3A_141 = arith.constant 0 : i32
    %dma_wait3A_142 = tpu.memref_slice %arg7[%dma_wait3A_139, %dma_wait3A_140, %dma_wait3A_141] : memref<3x80x128xf32, #tpu.memory_space<vmem>> -> memref<1x80x128xf32, #tpu.memory_space<vmem>>
    %dma_wait3A_143 = tpu.memref_squeeze %dma_wait3A_142 : memref<1x80x128xf32, #tpu.memory_space<vmem>> -> memref<80x128xf32, #tpu.memory_space<vmem>>
    %dma_wait3A_144 = arith.constant 9680 : i32
    %dma_wait3A_145 = tpu.memref_slice %arg6[%dma_wait3A_144] : memref<10000xi32, #tpu.memory_space<vmem>> -> memref<80xi32, #tpu.memory_space<vmem>>
    %dma_wait3A_146 = arith.constant 0 : i32
    %dma_wait3A_147 = arith.constant 0 : i32
    %dma_wait3A_148 = tpu.memref_slice %arg8[%dma_wait3A_146, %dma_wait3A_147] : memref<10000x128xf32, #tpu.memory_space<vmem_shared>> -> memref<10000x128xf32, #tpu.memory_space<vmem_shared>>
    tpu.wait_indirect_dma semaphore(%arg13 : memref<!tpu.dma_semaphore, #tpu.memory_space<semaphore_mem>>) src(%dma_wait3A_143 : memref<80x128xf32, #tpu.memory_space<vmem>>) dst(%dma_wait3A_148 : memref<10000x128xf32, #tpu.memory_space<vmem_shared>>)
    %dma_start3A_149 = arith.constant 1 : i32
    %dma_start3A_150 = arith.constant 0 : i32
    %dma_start3A_151 = arith.constant 0 : i32
    %dma_start3A_152 = tpu.memref_slice %arg7[%dma_start3A_149, %dma_start3A_150, %dma_start3A_151] : memref<3x80x128xf32, #tpu.memory_space<vmem>> -> memref<1x80x128xf32, #tpu.memory_space<vmem>>
    %dma_start3A_153 = tpu.memref_squeeze %dma_start3A_152 : memref<1x80x128xf32, #tpu.memory_space<vmem>> -> memref<80x128xf32, #tpu.memory_space<vmem>>
    %dma_start3A_154 = arith.constant 9920 : i32
    %dma_start3A_155 = tpu.memref_slice %arg5[%dma_start3A_154] : memref<10000xi32, #tpu.memory_space<vmem>> -> memref<80xi32, #tpu.memory_space<vmem>>
    %dma_start3A_156 = arith.constant 0 : i32
    %dma_start3A_157 = arith.constant 0 : i32
    %dma_start3A_158 = tpu.memref_slice %arg3[%dma_start3A_156, %dma_start3A_157] : memref<10000x128xf32, #tpu.memory_space<hbm>> -> memref<10000x128xf32, #tpu.memory_space<hbm>>
    tpu.enqueue_indirect_dma source(%dma_start3A_158 : memref<10000x128xf32, #tpu.memory_space<hbm>>) target(%dma_start3A_153 : memref<80x128xf32, #tpu.memory_space<vmem>>) offsets(%dma_start3A_155 : memref<80xi32, #tpu.memory_space<vmem>>) semaphore(%arg10 : memref<!tpu.dma_semaphore, #tpu.memory_space<semaphore_mem>>)
    %dma_wait3A_159 = arith.constant 2 : i32
    %dma_wait3A_160 = arith.constant 0 : i32
    %dma_wait3A_161 = arith.constant 0 : i32
    %dma_wait3A_162 = tpu.memref_slice %arg7[%dma_wait3A_159, %dma_wait3A_160, %dma_wait3A_161] : memref<3x80x128xf32, #tpu.memory_space<vmem>> -> memref<1x80x128xf32, #tpu.memory_space<vmem>>
    %dma_wait3A_163 = tpu.memref_squeeze %dma_wait3A_162 : memref<1x80x128xf32, #tpu.memory_space<vmem>> -> memref<80x128xf32, #tpu.memory_space<vmem>>
    %dma_wait3A_164 = arith.constant 9760 : i32
    %dma_wait3A_165 = tpu.memref_slice %arg5[%dma_wait3A_164] : memref<10000xi32, #tpu.memory_space<vmem>> -> memref<80xi32, #tpu.memory_space<vmem>>
    %dma_wait3A_166 = arith.constant 0 : i32
    %dma_wait3A_167 = arith.constant 0 : i32
    %dma_wait3A_168 = tpu.memref_slice %arg3[%dma_wait3A_166, %dma_wait3A_167] : memref<10000x128xf32, #tpu.memory_space<hbm>> -> memref<10000x128xf32, #tpu.memory_space<hbm>>
    tpu.wait_indirect_dma semaphore(%arg11 : memref<!tpu.dma_semaphore, #tpu.memory_space<semaphore_mem>>) src(%dma_wait3A_168 : memref<10000x128xf32, #tpu.memory_space<hbm>>) dst(%dma_wait3A_163 : memref<80x128xf32, #tpu.memory_space<vmem>>)
    %dma_start3A_169 = arith.constant 2 : i32
    %dma_start3A_170 = arith.constant 0 : i32
    %dma_start3A_171 = arith.constant 0 : i32
    %dma_start3A_172 = tpu.memref_slice %arg7[%dma_start3A_169, %dma_start3A_170, %dma_start3A_171] : memref<3x80x128xf32, #tpu.memory_space<vmem>> -> memref<1x80x128xf32, #tpu.memory_space<vmem>>
    %dma_start3A_173 = tpu.memref_squeeze %dma_start3A_172 : memref<1x80x128xf32, #tpu.memory_space<vmem>> -> memref<80x128xf32, #tpu.memory_space<vmem>>
    %dma_start3A_174 = arith.constant 9760 : i32
    %dma_start3A_175 = tpu.memref_slice %arg6[%dma_start3A_174] : memref<10000xi32, #tpu.memory_space<vmem>> -> memref<80xi32, #tpu.memory_space<vmem>>
    %dma_start3A_176 = arith.constant 0 : i32
    %dma_start3A_177 = arith.constant 0 : i32
    %dma_start3A_178 = tpu.memref_slice %arg8[%dma_start3A_176, %dma_start3A_177] : memref<10000x128xf32, #tpu.memory_space<vmem_shared>> -> memref<10000x128xf32, #tpu.memory_space<vmem_shared>>
    tpu.enqueue_indirect_dma source(%dma_start3A_173 : memref<80x128xf32, #tpu.memory_space<vmem>>) target(%dma_start3A_178 : memref<10000x128xf32, #tpu.memory_space<vmem_shared>>) offsets(%dma_start3A_175 : memref<80xi32, #tpu.memory_space<vmem>>) semaphore(%arg14 : memref<!tpu.dma_semaphore, #tpu.memory_space<semaphore_mem>>) {add = true}
    %dma_wait3A_179 = arith.constant 2 : i32
    %dma_wait3A_180 = arith.constant 0 : i32
    %dma_wait3A_181 = arith.constant 0 : i32
    %dma_wait3A_182 = tpu.memref_slice %arg7[%dma_wait3A_179, %dma_wait3A_180, %dma_wait3A_181] : memref<3x80x128xf32, #tpu.memory_space<vmem>> -> memref<1x80x128xf32, #tpu.memory_space<vmem>>
    %dma_wait3A_183 = tpu.memref_squeeze %dma_wait3A_182 : memref<1x80x128xf32, #tpu.memory_space<vmem>> -> memref<80x128xf32, #tpu.memory_space<vmem>>
    %dma_wait3A_184 = arith.constant 9760 : i32
    %dma_wait3A_185 = tpu.memref_slice %arg6[%dma_wait3A_184] : memref<10000xi32, #tpu.memory_space<vmem>> -> memref<80xi32, #tpu.memory_space<vmem>>
    %dma_wait3A_186 = arith.constant 0 : i32
    %dma_wait3A_187 = arith.constant 0 : i32
    %dma_wait3A_188 = tpu.memref_slice %arg8[%dma_wait3A_186, %dma_wait3A_187] : memref<10000x128xf32, #tpu.memory_space<vmem_shared>> -> memref<10000x128xf32, #tpu.memory_space<vmem_shared>>
    tpu.wait_indirect_dma semaphore(%arg14 : memref<!tpu.dma_semaphore, #tpu.memory_space<semaphore_mem>>) src(%dma_wait3A_183 : memref<80x128xf32, #tpu.memory_space<vmem>>) dst(%dma_wait3A_188 : memref<10000x128xf32, #tpu.memory_space<vmem_shared>>)
    %dma_wait3A_189 = arith.constant 0 : i32
    %dma_wait3A_190 = arith.constant 0 : i32
    %dma_wait3A_191 = arith.constant 0 : i32
    %dma_wait3A_192 = tpu.memref_slice %arg7[%dma_wait3A_189, %dma_wait3A_190, %dma_wait3A_191] : memref<3x80x128xf32, #tpu.memory_space<vmem>> -> memref<1x80x128xf32, #tpu.memory_space<vmem>>
    %dma_wait3A_193 = tpu.memref_squeeze %dma_wait3A_192 : memref<1x80x128xf32, #tpu.memory_space<vmem>> -> memref<80x128xf32, #tpu.memory_space<vmem>>
    %dma_wait3A_194 = arith.constant 9840 : i32
    %dma_wait3A_195 = tpu.memref_slice %arg5[%dma_wait3A_194] : memref<10000xi32, #tpu.memory_space<vmem>> -> memref<80xi32, #tpu.memory_space<vmem>>
    %dma_wait3A_196 = arith.constant 0 : i32
    %dma_wait3A_197 = arith.constant 0 : i32
    %dma_wait3A_198 = tpu.memref_slice %arg3[%dma_wait3A_196, %dma_wait3A_197] : memref<10000x128xf32, #tpu.memory_space<hbm>> -> memref<10000x128xf32, #tpu.memory_space<hbm>>
    tpu.wait_indirect_dma semaphore(%arg9 : memref<!tpu.dma_semaphore, #tpu.memory_space<semaphore_mem>>) src(%dma_wait3A_198 : memref<10000x128xf32, #tpu.memory_space<hbm>>) dst(%dma_wait3A_193 : memref<80x128xf32, #tpu.memory_space<vmem>>)
    %dma_start3A_199 = arith.constant 0 : i32
    %dma_start3A_200 = arith.constant 0 : i32
    %dma_start3A_201 = arith.constant 0 : i32
    %dma_start3A_202 = tpu.memref_slice %arg7[%dma_start3A_199, %dma_start3A_200, %dma_start3A_201] : memref<3x80x128xf32, #tpu.memory_space<vmem>> -> memref<1x80x128xf32, #tpu.memory_space<vmem>>
    %dma_start3A_203 = tpu.memref_squeeze %dma_start3A_202 : memref<1x80x128xf32, #tpu.memory_space<vmem>> -> memref<80x128xf32, #tpu.memory_space<vmem>>
    %dma_start3A_204 = arith.constant 9840 : i32
    %dma_start3A_205 = tpu.memref_slice %arg6[%dma_start3A_204] : memref<10000xi32, #tpu.memory_space<vmem>> -> memref<80xi32, #tpu.memory_space<vmem>>
    %dma_start3A_206 = arith.constant 0 : i32
    %dma_start3A_207 = arith.constant 0 : i32
    %dma_start3A_208 = tpu.memref_slice %arg8[%dma_start3A_206, %dma_start3A_207] : memref<10000x128xf32, #tpu.memory_space<vmem_shared>> -> memref<10000x128xf32, #tpu.memory_space<vmem_shared>>
    tpu.enqueue_indirect_dma source(%dma_start3A_203 : memref<80x128xf32, #tpu.memory_space<vmem>>) target(%dma_start3A_208 : memref<10000x128xf32, #tpu.memory_space<vmem_shared>>) offsets(%dma_start3A_205 : memref<80xi32, #tpu.memory_space<vmem>>) semaphore(%arg12 : memref<!tpu.dma_semaphore, #tpu.memory_space<semaphore_mem>>) {add = true}
    %dma_wait3A_209 = arith.constant 0 : i32
    %dma_wait3A_210 = arith.constant 0 : i32
    %dma_wait3A_211 = arith.constant 0 : i32
    %dma_wait3A_212 = tpu.memref_slice %arg7[%dma_wait3A_209, %dma_wait3A_210, %dma_wait3A_211] : memref<3x80x128xf32, #tpu.memory_space<vmem>> -> memref<1x80x128xf32, #tpu.memory_space<vmem>>
    %dma_wait3A_213 = tpu.memref_squeeze %dma_wait3A_212 : memref<1x80x128xf32, #tpu.memory_space<vmem>> -> memref<80x128xf32, #tpu.memory_space<vmem>>
    %dma_wait3A_214 = arith.constant 9840 : i32
    %dma_wait3A_215 = tpu.memref_slice %arg6[%dma_wait3A_214] : memref<10000xi32, #tpu.memory_space<vmem>> -> memref<80xi32, #tpu.memory_space<vmem>>
    %dma_wait3A_216 = arith.constant 0 : i32
    %dma_wait3A_217 = arith.constant 0 : i32
    %dma_wait3A_218 = tpu.memref_slice %arg8[%dma_wait3A_216, %dma_wait3A_217] : memref<10000x128xf32, #tpu.memory_space<vmem_shared>> -> memref<10000x128xf32, #tpu.memory_space<vmem_shared>>
    tpu.wait_indirect_dma semaphore(%arg12 : memref<!tpu.dma_semaphore, #tpu.memory_space<semaphore_mem>>) src(%dma_wait3A_213 : memref<80x128xf32, #tpu.memory_space<vmem>>) dst(%dma_wait3A_218 : memref<10000x128xf32, #tpu.memory_space<vmem_shared>>)
    %dma_wait3A_219 = arith.constant 1 : i32
    %dma_wait3A_220 = arith.constant 0 : i32
    %dma_wait3A_221 = arith.constant 0 : i32
    %dma_wait3A_222 = tpu.memref_slice %arg7[%dma_wait3A_219, %dma_wait3A_220, %dma_wait3A_221] : memref<3x80x128xf32, #tpu.memory_space<vmem>> -> memref<1x80x128xf32, #tpu.memory_space<vmem>>
    %dma_wait3A_223 = tpu.memref_squeeze %dma_wait3A_222 : memref<1x80x128xf32, #tpu.memory_space<vmem>> -> memref<80x128xf32, #tpu.memory_space<vmem>>
    %dma_wait3A_224 = arith.constant 9920 : i32
    %dma_wait3A_225 = tpu.memref_slice %arg5[%dma_wait3A_224] : memref<10000xi32, #tpu.memory_space<vmem>> -> memref<80xi32, #tpu.memory_space<vmem>>
    %dma_wait3A_226 = arith.constant 0 : i32
    %dma_wait3A_227 = arith.constant 0 : i32
    %dma_wait3A_228 = tpu.memref_slice %arg3[%dma_wait3A_226, %dma_wait3A_227] : memref<10000x128xf32, #tpu.memory_space<hbm>> -> memref<10000x128xf32, #tpu.memory_space<hbm>>
    tpu.wait_indirect_dma semaphore(%arg10 : memref<!tpu.dma_semaphore, #tpu.memory_space<semaphore_mem>>) src(%dma_wait3A_228 : memref<10000x128xf32, #tpu.memory_space<hbm>>) dst(%dma_wait3A_223 : memref<80x128xf32, #tpu.memory_space<vmem>>)
    %dma_start3A_229 = arith.constant 1 : i32
    %dma_start3A_230 = arith.constant 0 : i32
    %dma_start3A_231 = arith.constant 0 : i32
    %dma_start3A_232 = tpu.memref_slice %arg7[%dma_start3A_229, %dma_start3A_230, %dma_start3A_231] : memref<3x80x128xf32, #tpu.memory_space<vmem>> -> memref<1x80x128xf32, #tpu.memory_space<vmem>>
    %dma_start3A_233 = tpu.memref_squeeze %dma_start3A_232 : memref<1x80x128xf32, #tpu.memory_space<vmem>> -> memref<80x128xf32, #tpu.memory_space<vmem>>
    %dma_start3A_234 = arith.constant 9920 : i32
    %dma_start3A_235 = tpu.memref_slice %arg6[%dma_start3A_234] : memref<10000xi32, #tpu.memory_space<vmem>> -> memref<80xi32, #tpu.memory_space<vmem>>
    %dma_start3A_236 = arith.constant 0 : i32
    %dma_start3A_237 = arith.constant 0 : i32
    %dma_start3A_238 = tpu.memref_slice %arg8[%dma_start3A_236, %dma_start3A_237] : memref<10000x128xf32, #tpu.memory_space<vmem_shared>> -> memref<10000x128xf32, #tpu.memory_space<vmem_shared>>
    tpu.enqueue_indirect_dma source(%dma_start3A_233 : memref<80x128xf32, #tpu.memory_space<vmem>>) target(%dma_start3A_238 : memref<10000x128xf32, #tpu.memory_space<vmem_shared>>) offsets(%dma_start3A_235 : memref<80xi32, #tpu.memory_space<vmem>>) semaphore(%arg13 : memref<!tpu.dma_semaphore, #tpu.memory_space<semaphore_mem>>) {add = true}
    %dma_wait3A_239 = arith.constant 1 : i32
    %dma_wait3A_240 = arith.constant 0 : i32
    %dma_wait3A_241 = arith.constant 0 : i32
    %dma_wait3A_242 = tpu.memref_slice %arg7[%dma_wait3A_239, %dma_wait3A_240, %dma_wait3A_241] : memref<3x80x128xf32, #tpu.memory_space<vmem>> -> memref<1x80x128xf32, #tpu.memory_space<vmem>>
    %dma_wait3A_243 = tpu.memref_squeeze %dma_wait3A_242 : memref<1x80x128xf32, #tpu.memory_space<vmem>> -> memref<80x128xf32, #tpu.memory_space<vmem>>
    %dma_wait3A_244 = arith.constant 9920 : i32
    %dma_wait3A_245 = tpu.memref_slice %arg6[%dma_wait3A_244] : memref<10000xi32, #tpu.memory_space<vmem>> -> memref<80xi32, #tpu.memory_space<vmem>>
    %dma_wait3A_246 = arith.constant 0 : i32
    %dma_wait3A_247 = arith.constant 0 : i32
    %dma_wait3A_248 = tpu.memref_slice %arg8[%dma_wait3A_246, %dma_wait3A_247] : memref<10000x128xf32, #tpu.memory_space<vmem_shared>> -> memref<10000x128xf32, #tpu.memory_space<vmem_shared>>
    tpu.wait_indirect_dma semaphore(%arg13 : memref<!tpu.dma_semaphore, #tpu.memory_space<semaphore_mem>>) src(%dma_wait3A_243 : memref<80x128xf32, #tpu.memory_space<vmem>>) dst(%dma_wait3A_248 : memref<10000x128xf32, #tpu.memory_space<vmem_shared>>)
    %barrier3A_249 = arith.constant 0 : index
    tpu.barrier barrier_id(%barrier3A_249)
    "tpu.region"() ({
      %run_scoped3A_250 = tpu.sem_alloc : memref<!tpu.dma_semaphore, #tpu.memory_space<semaphore_mem>>
      %dma_start3A_251 = arith.constant 0 : i32
      %dma_start3A_252 = arith.constant 0 : i32
      %dma_start3A_253 = tpu.memref_slice %arg4[%arg0, %dma_start3A_251, %dma_start3A_252] : memref<2x10000x128xf32, #tpu.memory_space<hbm>> -> memref<1x10000x128xf32, #tpu.memory_space<hbm>>
      %dma_start3A_254 = tpu.memref_squeeze %dma_start3A_253 : memref<1x10000x128xf32, #tpu.memory_space<hbm>> -> memref<10000x128xf32, #tpu.memory_space<hbm>>
      %dma_start3A_255 = arith.constant 0 : i32
      %dma_start3A_256 = tpu.memref_slice %dma_start3A_254[%mul3A_39, %dma_start3A_255] : memref<10000x128xf32, #tpu.memory_space<hbm>> -> memref<625x128xf32, #tpu.memory_space<hbm>>
      %dma_start3A_257 = arith.constant 0 : i32
      %dma_start3A_258 = tpu.memref_slice %arg8[%mul3A_39, %dma_start3A_257] : memref<10000x128xf32, #tpu.memory_space<vmem_shared>> -> memref<625x128xf32, #tpu.memory_space<vmem_shared>>
      tpu.enqueue_dma source(%dma_start3A_258 : memref<625x128xf32, #tpu.memory_space<vmem_shared>>) target(%dma_start3A_256 : memref<625x128xf32, #tpu.memory_space<hbm>>) target_semaphore(%run_scoped3A_250 : memref<!tpu.dma_semaphore, #tpu.memory_space<semaphore_mem>>)
      %dma_wait3A_259 = arith.constant 0 : i32
      %dma_wait3A_260 = arith.constant 0 : i32
      %dma_wait3A_261 = tpu.memref_slice %arg4[%arg0, %dma_wait3A_259, %dma_wait3A_260] : memref<2x10000x128xf32, #tpu.memory_space<hbm>> -> memref<1x10000x128xf32, #tpu.memory_space<hbm>>
      %dma_wait3A_262 = tpu.memref_squeeze %dma_wait3A_261 : memref<1x10000x128xf32, #tpu.memory_space<hbm>> -> memref<10000x128xf32, #tpu.memory_space<hbm>>
      %dma_wait3A_263 = arith.constant 0 : i32
      %dma_wait3A_264 = tpu.memref_slice %dma_wait3A_262[%mul3A_39, %dma_wait3A_263] : memref<10000x128xf32, #tpu.memory_space<hbm>> -> memref<625x128xf32, #tpu.memory_space<hbm>>
      %dma_wait3A_265 = arith.constant 0 : i32
      %dma_wait3A_266 = tpu.memref_slice %arg8[%mul3A_39, %dma_wait3A_265] : memref<10000x128xf32, #tpu.memory_space<vmem_shared>> -> memref<625x128xf32, #tpu.memory_space<vmem_shared>>
      tpu.wait_dma2 semaphore(%run_scoped3A_250 : memref<!tpu.dma_semaphore, #tpu.memory_space<semaphore_mem>>) src(%dma_wait3A_266 : memref<625x128xf32, #tpu.memory_space<vmem_shared>>) dst(%dma_wait3A_264 : memref<625x128xf32, #tpu.memory_space<hbm>>)
      tpu.yield
    }) : () -> ()
    return
  }
}

module attributes {stable_mosaic.version = 14 : i64} {
  func.func @_out_body(%arg0: i32, %arg1: memref<2x2560x128xf32, #tpu.memory_space<vmem>>, %arg2: memref<2560x128xf32, #tpu.memory_space<vmem>>, %arg3: memref<2560x1xf32, #tpu.memory_space<vmem>>, %arg4: memref<128x128xf32, #tpu.memory_space<vmem>>, %arg5: memref<1x128xf32, #tpu.memory_space<vmem>>, %arg6: memref<2560x128xf32, #tpu.memory_space<vmem>>) attributes {dimension_semantics = [#tpu.dimension_semantics<arbitrary>], iteration_bounds = array<i64: 4>, scalar_prefetch = 0 : i64, scratch_operands = 0 : i64, tpu.core_type = #tpu.core_type<tc>, window_params = [{transform_indices = @transform_0, window_bounds = array<i64: 2, 2560, 128>}, {transform_indices = @transform_1, window_bounds = array<i64: 2560, 128>}, {transform_indices = @transform_2, window_bounds = array<i64: 2560, 1>}, {pipeline_mode = #tpu.pipeline_mode<synchronous>, transform_indices = @transform_3, window_bounds = array<i64: 128, 128>}, {pipeline_mode = #tpu.pipeline_mode<synchronous>, transform_indices = @transform_4, window_bounds = array<i64: 1, 128>}, {transform_indices = @transform_5, window_bounds = array<i64: 2560, 128>}]} {
    %get3A = arith.constant 0 : index
    %get3A_0 = arith.constant 0 : index
    %get3A_1 = arith.constant 0 : index
    %get3A_2 = vector.load %arg1[%get3A, %get3A_0, %get3A_1] : memref<2x2560x128xf32, #tpu.memory_space<vmem>>, vector<1x2560x128xf32>
    %get3A_3 = vector.shape_cast %get3A_2 : vector<1x2560x128xf32> to vector<2560x128xf32>
    %get3A_4 = arith.constant 1 : index
    %get3A_5 = arith.constant 0 : index
    %get3A_6 = arith.constant 0 : index
    %get3A_7 = vector.load %arg1[%get3A_4, %get3A_5, %get3A_6] : memref<2x2560x128xf32, #tpu.memory_space<vmem>>, vector<1x2560x128xf32>
    %get3A_8 = vector.shape_cast %get3A_7 : vector<1x2560x128xf32> to vector<2560x128xf32>
    %add3A = arith.addf %get3A_3, %get3A_8 : vector<2560x128xf32>
    %get3A_9 = arith.constant 0 : index
    %get3A_10 = arith.constant 0 : index
    %get3A_11 = vector.load %arg2[%get3A_9, %get3A_10] : memref<2560x128xf32, #tpu.memory_space<vmem>>, vector<2560x128xf32>
    %add3A_12 = arith.addf %add3A, %get3A_11 : vector<2560x128xf32>
    %get3A_13 = arith.constant 0 : index
    %get3A_14 = arith.constant 0 : index
    %get3A_15 = vector.load %arg3[%get3A_13, %get3A_14] : memref<2560x1xf32, #tpu.memory_space<vmem>>, vector<2560x1xf32>
    %mul3A = vector.broadcast %get3A_15 : vector<2560x1xf32> to vector<2560x128xf32>
    %mul3A_16 = arith.mulf %add3A_12, %mul3A : vector<2560x128xf32>
    %get3A_17 = arith.constant 0 : index
    %get3A_18 = arith.constant 0 : index
    %get3A_19 = vector.load %arg4[%get3A_17, %get3A_18] : memref<128x128xf32, #tpu.memory_space<vmem>>, vector<128x128xf32>
    %dot_general3A = arith.constant dense<0.000000e+00> : vector<2560x128xf32>
    %dot_general3A_20 = tpu.matmul %mul3A_16, %get3A_19, %dot_general3A {dimension_numbers = #tpu.dot_dimension_numbers<[1], [0], [0], [1], [0, 0, 1, 1], [], []>, transpose_lhs_hint = false} : vector<2560x128xf32>, vector<128x128xf32>, vector<2560x128xf32> -> vector<2560x128xf32>
    %get3A_21 = arith.constant 0 : index
    %get3A_22 = arith.constant 0 : index
    %get3A_23 = vector.load %arg5[%get3A_21, %get3A_22] : memref<1x128xf32, #tpu.memory_space<vmem>>, vector<1x128xf32>
    %add3A_24 = vector.broadcast %get3A_23 : vector<1x128xf32> to vector<2560x128xf32>
    %add3A_25 = arith.addf %dot_general3A_20, %add3A_24 : vector<2560x128xf32>
    %swap3A = arith.constant 0 : index
    %swap3A_26 = arith.constant 0 : index
    %swap3A_27 = vector.load %arg6[%swap3A, %swap3A_26] : memref<2560x128xf32, #tpu.memory_space<vmem>>, vector<2560x128xf32>
    tpu.vector_store %arg6[%swap3A, %swap3A_26], %add3A_25 {strides = array<i32>} : memref<2560x128xf32, #tpu.memory_space<vmem>>, vector<2560x128xf32>,
    return
  }
  func.func @transform_0(%arg0: i32) -> (i32, i32, i32) {
    %c0_i32 = arith.constant 0 : i32
    %c0_i32_0 = arith.constant 0 : i32
    %c0_i32_1 = arith.constant 0 : i32
    return %c0_i32, %arg0, %c0_i32_0 : i32, i32, i32
  }
  func.func @transform_1(%arg0: i32) -> (i32, i32) {
    %c0_i32 = arith.constant 0 : i32
    %c0_i32_0 = arith.constant 0 : i32
    return %arg0, %c0_i32 : i32, i32
  }
  func.func @transform_2(%arg0: i32) -> (i32, i32) {
    %c0_i32 = arith.constant 0 : i32
    %c0_i32_0 = arith.constant 0 : i32
    return %arg0, %c0_i32 : i32, i32
  }
  func.func @transform_3(%arg0: i32) -> (i32, i32) {
    %c0_i32 = arith.constant 0 : i32
    %c0_i32_0 = arith.constant 0 : i32
    %c0_i32_1 = arith.constant 0 : i32
    return %c0_i32, %c0_i32_0 : i32, i32
  }
  func.func @transform_4(%arg0: i32) -> (i32, i32) {
    %c0_i32 = arith.constant 0 : i32
    %c0_i32_0 = arith.constant 0 : i32
    %c0_i32_1 = arith.constant 0 : i32
    return %c0_i32, %c0_i32_0 : i32, i32
  }
  func.func @transform_5(%arg0: i32) -> (i32, i32) {
    %c0_i32 = arith.constant 0 : i32
    %c0_i32_0 = arith.constant 0 : i32
    return %arg0, %c0_i32 : i32, i32
  }
}

module attributes {stable_mosaic.version = 14 : i64} {
  func.func @_scale_body(%arg0: i32, %arg1: memref<32x2560xf32, #tpu.memory_space<vmem>>, %arg2: memref<2560x128xf32, #tpu.memory_space<vmem>>, %arg3: memref<2560x1xf32, #tpu.memory_space<vmem>>, %arg4: memref<2560x128xf32, #tpu.memory_space<vmem>>) attributes {dimension_semantics = [#tpu.dimension_semantics<arbitrary>], iteration_bounds = array<i64: 4>, scalar_prefetch = 0 : i64, scratch_operands = 0 : i64, tpu.core_type = #tpu.core_type<tc>, window_params = [{transform_indices = @transform_0, window_bounds = array<i64: 32, 2560>}, {transform_indices = @transform_1, window_bounds = array<i64: 2560, 128>}, {transform_indices = @transform_2, window_bounds = array<i64: 2560, 1>}, {transform_indices = @transform_3, window_bounds = array<i64: 2560, 128>}]} {
    %get3A = arith.constant 0 : index
    %get3A_0 = arith.constant 0 : index
    %get3A_1 = vector.load %arg1[%get3A, %get3A_0] : memref<32x2560xf32, #tpu.memory_space<vmem>>, vector<32x2560xf32>
    %reduce_sum3A = arith.constant dense<0.000000e+00> : vector<2560xf32>
    %reduce_sum3A_2 = vector.multi_reduction <add>, %get3A_1, %reduce_sum3A [0] : vector<32x2560xf32> to vector<2560xf32>
    %add3A = arith.constant 1.000000e+00 : f32
    %add3A_3 = vector.broadcast %add3A : f32 to vector<2560xf32>
    %add3A_4 = arith.addf %reduce_sum3A_2, %add3A_3 : vector<2560xf32>
    %rsqrt3A = math.rsqrt %add3A_4 : vector<2560xf32>
    %broadcast_in_dim3A = vector.shape_cast %rsqrt3A : vector<2560xf32> to vector<2560x1xf32>
    %swap3A = arith.constant 0 : index
    %swap3A_5 = arith.constant 0 : index
    %swap3A_6 = vector.load %arg3[%swap3A, %swap3A_5] : memref<2560x1xf32, #tpu.memory_space<vmem>>, vector<2560x1xf32>
    tpu.vector_store %arg3[%swap3A, %swap3A_5], %broadcast_in_dim3A {strides = array<i32>} : memref<2560x1xf32, #tpu.memory_space<vmem>>, vector<2560x1xf32>,
    %get3A_7 = arith.constant 0 : index
    %get3A_8 = arith.constant 0 : index
    %get3A_9 = vector.load %arg2[%get3A_7, %get3A_8] : memref<2560x128xf32, #tpu.memory_space<vmem>>, vector<2560x128xf32>
    %mul3A = vector.broadcast %broadcast_in_dim3A : vector<2560x1xf32> to vector<2560x128xf32>
    %mul3A_10 = arith.mulf %get3A_9, %mul3A : vector<2560x128xf32>
    %swap3A_11 = arith.constant 0 : index
    %swap3A_12 = arith.constant 0 : index
    %swap3A_13 = vector.load %arg4[%swap3A_11, %swap3A_12] : memref<2560x128xf32, #tpu.memory_space<vmem>>, vector<2560x128xf32>
    tpu.vector_store %arg4[%swap3A_11, %swap3A_12], %mul3A_10 {strides = array<i32>} : memref<2560x128xf32, #tpu.memory_space<vmem>>, vector<2560x128xf32>,
    return
  }
  func.func @transform_0(%arg0: i32) -> (i32, i32) {
    %c0_i32 = arith.constant 0 : i32
    %c0_i32_0 = arith.constant 0 : i32
    return %c0_i32, %arg0 : i32, i32
  }
  func.func @transform_1(%arg0: i32) -> (i32, i32) {
    %c0_i32 = arith.constant 0 : i32
    %c0_i32_0 = arith.constant 0 : i32
    return %arg0, %c0_i32 : i32, i32
  }
  func.func @transform_2(%arg0: i32) -> (i32, i32) {
    %c0_i32 = arith.constant 0 : i32
    %c0_i32_0 = arith.constant 0 : i32
    return %arg0, %c0_i32 : i32, i32
  }
  func.func @transform_3(%arg0: i32) -> (i32, i32) {
    %c0_i32 = arith.constant 0 : i32
    %c0_i32_0 = arith.constant 0 : i32
    return %arg0, %c0_i32 : i32, i32
  }
}

</mosaic_0001>

<sc_bundles>
// kernel: kernel.6.cloned.1.call-start
scs
__scs_entry_jumppad:
0x0: {  	(pc) =	sbr.rel $0x88, $3  }
0x1: {  	(tag) =	ssettag $0x0;
	lr =	simm.s32 $0x1  }
0x2: {  	[smem:$0x3F9D] =	sst lr;
	_ =	strace $0xD0000000  }
0x3: {  	_ = 	snop  }
0x4: {  	_ = 	snop  }
0x5: {  	_ = 	snop  }
0x6: {  	_ = 	snop  }
0x7: {  	_ = 	snop  }
__scs_overlays_trampoline_lowered:
0x8: {  	[smem:$0x3FAC] =	sst s0  }
0x9: {  	[smem:$0x3FAD] =	sst s1  }
0xa: {  	[smem:$0x3FAE] =	sst s2  }
0xb: {  	[smem:$0x3FAF] =	sst s3  }
0xc: {  	[smem:$0x3FB0] =	sst s4  }
0xd: {  	[smem:$0x3FB1] =	sst s5  }
0xe: {  	[smem:$0x3FB2] =	sst s6  }
0xf: {  	[smem:$0x3FB3] =	sst s7  }
0x10: {  	[smem:$0x3FB4] =	sst s8  }
0x11: {  	[smem:$0x3FB5] =	sst s9;
	s0 =	simm.s32 @!p0 $0x0  }
0x12: {  	s1 =	sld [smem:$0x3F9B];
	s0 =	simm.s32 @p0 $0x1  }
0x13: {  	[smem:$0x3FB6] =	sst s0;
	s0 =	simm.s32 @!p1 $0x0  }
0x14: {  	s2 =	sld [smem:$0x3F9A];
	s0 =	simm.s32 @p1 $0x1  }
0x15: {  	[smem:$0x3FB7] =	sst s0;
	s0 =	simm.s32 @!p2 $0x0  }
0x16: {  	s3 =	sld [smem:$0x3FDB];
	s0 =	simm.s32 @p2 $0x1  }
0x17: {  	s4 =	simm.s32 $0x1BF5;
	[smem:$0x3FB9] =	sst s0  }
0x18: {  	s0 =	sld [smem:$0x3F9C];
	_ =	swait.ge [sflag:s4], $0x0  }
0x19: {  	s7 =	sld [smem:$0x3F9D]  }
0x1a: {  	s8 =	sadd.s32 $0xFFFFE003, lr  }
0x1b: {  	s9 =	sadd.s32 $0xFFFFFEF7, lr;
	s5 =	simm.s32 $0xFFFFFFFF;
	p2 =	slt.u32 s8, $0xFFFFF086  }
0x1c: {  	p1 =	slt.u32 s9, $0xF7A;
	s5 =	simm.s32 @!p2 $0x0  }
0x1d: {  	s5 =	simm.s32 @p1 $0x1;
	p0 =	seq.s32 s7, s2  }
0x1e: {  	s7 =	smul.u32 @!p0 $0xF7A, s2;
	p2 =	seq.s32 @!p0 s5, $0x0  }
0x1f: {  	s9 =	smul.u32 $0xF7A, s1;
	s8 =	simm.s32 @!p0 $0x1BF5;
	p2 =	por !p2, p0  }
0x20: {  	[sflag:s8] =	ssyncset.s32 @!p0 $0xFFFFF086;
	s6 =	sadd.s32 @!p0 s3, s7;
	s7 =	simm.s32 @!p0 $0x108  }
0x21: {  	s3 =	sadd.s32 s3, s9;
	s6 =	sadd.s32 @!p0 $0x88, s6;
	s7 =	simm.s32 @p2 $0x1082  }
0x22: {  	[simem:s7], [sflag:s8] =	dma.local @!p0 [hbm:s6], $0xF7A  }
0x23: {  	s9 =	sor.u32 $0xD0000000, s2;
	s6 =	simm.s32 $0x108;
	_ =	swait.ge @!p0 [sflag:s8], $0x0  }
0x24: {  	s3 =	sadd.s32 $0x88, s3;
	s6 =	simm.s32 @!p1 $0x1082;
	[sflag:s4] =	ssyncset.s32 $0xFFFFF086  }
0x25: {  	[simem:s6], [sflag:s4] =	dma.local [hbm:s3], $0xF7A  }
0x26: {  	[smem:$0x3F9D] =	sst s1;
	(tag) =	ssettag s2;
	_ =	strace s9  }
0x27: {  	s1 =	sld [smem:$0x3FAD]  }
0x28: {  	s2 =	sld [smem:$0x3FAE]  }
0x29: {  	s4 =	sld [smem:$0x3FB0]  }
0x2a: {  	p0 =	seq.s32 s5, $0x0;
	s5 =	sld [smem:$0x3FB1]  }
0x2b: {  	s6 =	sld [smem:$0x3FB2]  }
0x2c: {  	s7 =	sld [smem:$0x3FB3]  }
0x2d: {  	s3 =	simm.s32 $0x108;
	s8 =	sld [smem:$0x3FB4]  }
0x2e: {  	s3 =	simm.s32 @!p0 $0x1082;
	s9 =	sld [smem:$0x3FB5]  }
0x2f: {  	lr =	sadd.s32 s0, s3;
	s0 =	sld [smem:$0x3FAC]  }
0x30: {  	s3 =	sld [smem:$0x3FAF]  }
0x31: {  	[smem:$0x3FB8] =	sst s10  }
0x32: {  	s10 =	sld [smem:$0x3FB6];
	_ =	sdelay $0x3  }
0x33: {  	p0 =	seq.s32 s10, $0x1;
	s10 =	sld [smem:$0x3FB8];
	_ =	sdelay $0x3  }
0x34: {  	[smem:$0x3FB8] =	sst s10  }
0x35: {  	s10 =	sld [smem:$0x3FB7];
	_ =	sdelay $0x3  }
0x36: {  	p1 =	seq.s32 s10, $0x1;
	s10 =	sld [smem:$0x3FB8];
	_ =	sdelay $0x3  }
0x37: {  	[smem:$0x3FB8] =	sst s10  }
0x38: {  	s10 =	sld [smem:$0x3FB9]  }
0x39: {  	_ = 	snop;
	(pc) =	sbr.ind lr, $3  }
0x3a: {  	_ = 	snop  }
0x3b: {  	_ = 	snop  }
0x3c: {  	p2 =	seq.s32 s10, $0x1;
	s10 =	sld [smem:$0x3FB8]  }
0x3d: {  	_ =	shalt  }
0x3e: {  	_ =	shalt  }
0x3f: {  	_ =	shalt  }
0x40: {  	_ =	shalt  }
0x41: {  	_ =	shalt  }
0x42: {  	_ =	shalt  }
0x43: {  	_ =	shalt  }
0x44: {  	_ =	shalt  }
0x45: {  	_ =	shalt  }
0x46: {  	_ =	shalt  }
0x47: {  	_ =	shalt  }
0x48: {  	_ =	shalt  }
0x49: {  	_ =	shalt  }
0x4a: {  	_ =	shalt  }
0x4b: {  	_ =	shalt  }
0x4c: {  	_ =	shalt  }
0x4d: {  	_ =	shalt  }
0x4e: {  	_ =	shalt  }
0x4f: {  	_ =	shalt  }
0x50: {  	_ =	shalt  }
0x51: {  	_ =	shalt  }
0x52: {  	_ =	shalt  }
0x53: {  	_ =	shalt  }
0x54: {  	_ =	shalt  }
0x55: {  	_ =	shalt  }
0x56: {  	_ =	shalt  }
0x57: {  	_ =	shalt  }
0x58: {  	_ =	shalt  }
0x59: {  	_ =	shalt  }
0x5a: {  	_ =	shalt  }
0x5b: {  	_ =	shalt  }
0x5c: {  	_ =	shalt  }
0x5d: {  	_ =	shalt  }
0x5e: {  	_ =	shalt  }
0x5f: {  	_ =	shalt  }
0x60: {  	_ =	shalt  }
0x61: {  	_ =	shalt  }
0x62: {  	_ =	shalt  }
0x63: {  	_ =	shalt  }
0x64: {  	_ =	shalt  }
0x65: {  	_ =	shalt  }
0x66: {  	_ =	shalt  }
0x67: {  	_ =	shalt  }
0x68: {  	_ =	shalt  }
0x69: {  	_ =	shalt  }
0x6a: {  	_ =	shalt  }
0x6b: {  	_ =	shalt  }
0x6c: {  	_ =	shalt  }
0x6d: {  	_ =	shalt  }
0x6e: {  	_ =	shalt  }
0x6f: {  	_ =	shalt  }
0x70: {  	_ =	shalt  }
0x71: {  	_ =	shalt  }
0x72: {  	_ =	shalt  }
0x73: {  	_ =	shalt  }
0x74: {  	_ =	shalt  }
0x75: {  	_ =	shalt  }
0x76: {  	_ =	shalt  }
0x77: {  	_ =	shalt  }
0x78: {  	_ =	shalt  }
0x79: {  	_ =	shalt  }
0x7a: {  	_ =	shalt  }
0x7b: {  	_ =	shalt  }
0x7c: {  	_ =	shalt  }
0x7d: {  	_ =	shalt  }
0x7e: {  	_ =	shalt  }
0x7f: {  	_ =	shalt  }
0x80: {  	_ =	shalt  }
0x81: {  	_ =	shalt  }
0x82: {  	_ =	shalt  }
0x83: {  	_ =	shalt  }
0x84: {  	_ =	shalt  }
0x85: {  	_ =	shalt  }
0x86: {  	_ =	shalt  }
0x87: {  	_ =	shalt  }
.Lfunc_end0:
.L_simem_size_0:
called_computation_lowered:
.L_overlay_start_0:
0x88: {  	s2 =	sld [smem:$0x3FD9]  }
0x89: {  	s3 =	sld [smem:$0x3FFE];
	_ =	sdelay $0x1  }
0x8a: {  	s1 =	srdreg.scid  }
0x8b: {  	s0 =	sand.u32 $0x1, s1  }
0x8c: {  	s17 =	sshll.u32 s0, $0xA;
	s2 =	sadd.s32 s3, s2  }
0x8d: {  	s2 =	sadd.s32 s2, s17  }
0x8e: {  	[smem:$0x3FC4] =	sst s2  }
0x8f: {  	_ = 	snop  }
0x90: {  	s2 =	sld [smem:$0x3FD0];
	(tm) =	ssettm $0x1  }
0x91: {  	s18 =	sld [smem:$0x3FFB];
	_ =	sdelay $0x3  }
0x92: {  	_ =	strace s18  }
0x93: {  	s3 =	sld [smem:$0x3FFC];
	_ =	sdelay $0x3  }
0x94: {  	_ =	strace s3  }
0x95: {  	s3 =	sld [smem:$0x3FFD];
	_ =	sdelay $0x3  }
0x96: {  	_ =	strace s3  }
0x97: {  	_ =	strace $0x8FFFFFFF  }
0x98: {  	s19 =	sld [smem:$0x3FDB];
	_ =	sdelay $0x1  }
0x99: {  	s4 =	simm.s32 $_scs_section_size  }
0x9a: {  	s5 =	simm.s32 $_size__tile_overlayer_lowered;
	s6 =	simm.s32 $_tile_overlayer_lowered  }
0x9b: {  	s22 =	simm.s32 $0x1BFF;
	s21 =	sshll.u32 s6, $0x1;
	s3 =	sadd.s32 s4, s19  }
0x9c: {  	s7 =	simm.s32 $0x0;
	s20 =	sshll.u32 s5, $0x1;
	s5 =	sadd.s32 s21, s3  }
0x9d: {  	[timem:s7], [sflag:s22] =	dma.local [hbm:s5], s20  }
0x9e: {  	_ =	swait.ge [sflag:s22], s20  }
0x9f: {  	s4 =	ssub.s32 $0x0, s20;
	[sflag:s22] =	ssyncset.done $0x0  }
0xa0: {  	[sflag:s22] =	ssyncadd.s32 s4;
	_ =	sdelay $0x1  }
0xa1: {  	s23 =	simm.s32 $0x1B8B  }
0xa2: {  	_ =	swait.ge [sflag:s23], $0x1  }
0xa3: {  	[sflag:s23] =	ssyncset.done $0x0  }
0xa4: {  	s25 =	simm.s32 $0x1B8E;
	s24 =	sld [smem:$0x3FFE];
	[sflag:s23] =	ssyncadd.s32 $0xFFFFFFFF  }
0xa5: {  	s26 =	simm.s32 $execute0_lowered;
	[smem:$0x3FD2] =	sst s25  }
0xa6: {  	s5 =	sshll.u32 s26, $0x1;
	_ =	strace $0x80000046;
	[dreg:$0x1] =	wrdreg $0xFFFFFFFF  }
0xa7: {  	s28 =	simm.s32 $_size_execute0_lowered;
	s3 =	sadd.s32 s3, s5;
	[dreg:$0x0] =	wrdreg $0x0  }
0xa8: {  	s5 =	sshll.u32 s28, $0x1;
	[dreg:$0x2] =	wrdreg s3  }
0xa9: {  	[dreg:$0x3] =	wrdreg s5  }
0xaa: {  	[dreg:$0x4] =	wrdreg $0xC0  }
0xab: {  	_ =	task [dreg:s7], $0x5FFFF  }
0xac: {  	[dreg:$0x1] =	wrdreg $0xFFFFFFFF  }
0xad: {  	[dreg:$0x0] =	wrdreg $0x60  }
0xae: {  	[dreg:$0x2] =	wrdreg s24  }
0xaf: {  	[dreg:$0x3] =	wrdreg s2  }
0xb0: {  	[dreg:$0x4] =	wrdreg $0x9  }
0xb1: {  	_ =	task.clear_ibuf [dreg:s7], $0x5FFFF;
	_ =	strace $0x90000046  }
0xb2: {  	s29 =	simm.s32 $0x9;
	_ =	strace $0x80000048  }
0xb3: {  	_ =	swait.ge [sflag:s29], $0x1  }
0xb4: {  	[sflag:s29] =	ssyncadd.s32 $0xFFFFFFFF  }
0xb5: {  	_ =	strace $0x90000048  }
0xb6: {  	_ =	sfence  }
0xb7: {  	s30 =	sld [smem:$0x0];
	_ =	sdelay $0x2  }
0xb8: {  	s31 =	sshll.u32 s1, $0xD;
	s1 =	sshrl.u32 s1, $0x2  }
0xb9: {  	s3 =	sand.u32 $0x4000, s31;
	s1 =	sadd.s32 s1, s30  }
0xba: {  	s0 =	sor.u32 s3, s0;
	s1 =	sshll.u32 s1, $0x11  }
0xbb: {  	s0 =	sor.u32 s1, s0  }
0xbc: {  	s0 =	sadd.s32 $0x8F2B, s0  }
0xbd: {  	[sflag:s0] =	ssyncadd.remote.s32 $0x1  }
0xbe: {  	_ =	sfence.sel $0xFFFF  }
0xbf: {  	[dreg:$0x0] =	wrdreg $0xFFFFFFFF;
	(pc) =	sbr.abs _section_cstart, $3  }
0xc0: {  	[dreg:$0x1] =	wrdreg $0xFFFFFFFF  }
0xc1: {  	_ =	task.clear_ibuf [dreg:s7], $0x2FFFF;
	_ =	strace $0x9FFFFFFF  }
0xc2: {  	(tm) =	ssettm $0x7FFFFFFF  }
0xc3: {  	_ =	shalt  }
tec
execute0_lowered:
.L_overlay_start_1:
0x0: {  	(tag) =	ssettag $0x1  }
0x1: {  	s0 =	srdreg.scid  }
0x2: {  	s3 =	sand.u32 $0x1, s0  }
0x3: {  	s0 =	stileid.u32;
	s1 =	sshll.u32 s3, $0x4  }
0x4: {  	s4 =	rddreg [dreg:$0x0];
	s1 =	sor.u32 s0, s1  }
0x5: {  	s5 =	rddreg [dreg:$0x1];
	s2 =	simm.s32 $0x0;
	s6 =	smul.u32 $0x2710, s1  }
0x6: {  	s8 =	simm.s32 $0x2;
	s9 =	simm.s32 $0x0;
	s3 =	ssub.s32 $0x2, s3  }
0x7: {  	[smem:$0x7FF] =	sst s2;
	s7 =	sshrl.u32 s3, $0x1;
	s6 =	sshrl.u32 s6, $0x3  }
0x8: {  	s1 =	rddreg [dreg:$0x2];
	_ =	strace $0x80000047;
	s4 =	sadd.s32 s4, s6  }
0x9: {  	s7 =	ssub.s32 s3, s7;
	s3 =	sadd.s32 $0xB840, s4;
	s4 =	sadd.s32 s5, s6  }
0xa: {  	v0 =	vimm.f32 $0.0e+00;
	v1 =	vimm.f32 $1.000000000e+00;
	s5 =	smax.u32 s7, $0x1;
	s6 =	simm.s32 $0x1;
	s7 =	simm.s32 $0x2710  }
.LBB2_1:
0xb: {  	[tilespmem:s2], [sflag:$0x1] =	stream.linear.gather [hbm4b:s3+s2], $0x2710, $0x38;
	[tilespmem:$0x4E90] =	vst v63  }
0xc: {  	s10 =	simm.s32 $0x0;
	s11 =	simm.s32 $0x200  }
.LBB2_2:
0xd: {  	p0 =	sne.s32 s11, $0x9C00;
	[tilespmem:s10+$0x2780] =	vst v0  }
0xe: {  	[tilespmem:s10+$0x2710] =	vst v0  }
0xf: {  	[tilespmem:s10+$0x2720] =	vst v0  }
.Ltmp0:
0x10: {  	[tilespmem:s10+$0x2730] =	vst v0;
	(pc) =	sbr.rel @p0 .LBB2_2-.Ltmp0, $4  }
0x11: {  	[tilespmem:s10+$0x2740] =	vst v0  }
0x12: {  	[tilespmem:s10+$0x2750] =	vst v0  }
0x13: {  	[tilespmem:s10+$0x2760] =	vst v0  }
0x14: {  	[tilespmem:s10+$0x2770] =	vst v0;
	s10 =	sshra.s32 s11, $0x2;
	s11 =	sadd.s32 $0x200, s11  }
0x15: {  	[tilespmem:s10+$0x2780] =	vst v0  }
0x16: {  	[tilespmem:s10+$0x2710] =	vst v0  }
0x17: {  	[tilespmem:s10+$0x2720] =	vst v0  }
0x18: {  	[tilespmem:s10+$0x2730] =	vst v0  }
0x19: {  	[tilespmem:s10+$0x2740] =	vst v0  }
0x1a: {  	[tilespmem:s10+$0x2750] =	vst v0  }
0x1b: {  	[tilespmem:s10+$0x2760] =	vst v0  }
0x1c: {  	[tilespmem:s10+$0x2770] =	vst v0  }
0x1d: {  	_ =	swait.ge [sflag:s6], $0x2710  }
0x1e: {  	[sflag:s6] =	ssyncset.done $0x0  }
0x1f: {  	s10 =	simm.s32 $0x0;
	[sflag:s6] =	ssyncadd.s32 $0xFFFFD8F0  }
.LBB2_4:
0x20: {  	s11 =	sshra.s32 s10, $0x2  }
0x21: {  	v2 =	vld [tilespmem:s11+$0x0];
	_ =	sdelay $0x7  }
0x22: {  	[tilespmem:v2+s7+$0x0] =	vst.idx.add.f32.msk $0xffff, v1  }
0x23: {  	v2 =	vld [tilespmem:s11+$0x10];
	_ =	sdelay $0x7  }
0x24: {  	[tilespmem:v2+s7+$0x0] =	vst.idx.add.f32.msk $0xffff, v1  }
0x25: {  	v2 =	vld [tilespmem:s11+$0x20];
	_ =	sdelay $0x7  }
0x26: {  	[tilespmem:v2+s7+$0x0] =	vst.idx.add.f32.msk $0xffff, v1  }
0x27: {  	v2 =	vld [tilespmem:s11+$0x30];
	_ =	sdelay $0x7  }
0x28: {  	[tilespmem:v2+s7+$0x0] =	vst.idx.add.f32.msk $0xffff, v1  }
0x29: {  	v2 =	vld [tilespmem:s11+$0x40];
	_ =	sdelay $0x2  }
0x2a: {  	p0 =	sne.s32 s10, $0x9B00  }
.Ltmp1:
0x2b: {  	_ = 	snop;
	(pc) =	sbr.rel @p0 .LBB2_4-.Ltmp1, $2  }
0x2c: {  	_ =	sdelay $0x2  }
0x2d: {  	s10 =	sadd.s32 $0x140, s10;
	[tilespmem:v2+s7+$0x0] =	vst.idx.add.f32.msk $0xffff, v1  }
0x2e: {  	s9 =	sadd.s32 $0x1, s9  }
0x2f: {  	p0 =	sne.s32 s9, s5  }
.Ltmp2:
0x30: {  	_ = 	snop;
	(pc) =	sbr.rel @p0 .LBB2_1-.Ltmp2, $4  }
0x31: {  	[hbm4b:s4+s2] =	stream.linear.scatter [tilespmem:s7], [sflag:$0x2], $0x2710, $0x38;
	[tilespmem:$0x4E90] =	vst v63  }
0x32: {  	_ =	swait.ge [sflag:s8], $0x2710  }
0x33: {  	[sflag:s8] =	ssyncset.done $0x0  }
0x34: {  	[sflag:s8] =	ssyncadd.s32 $0xFFFFD8F0  }
0x35: {  	_ =	sfence.sel $0x180000  }
0x36: {  	[bflag:$0x0] =	sbarrier.arrive $0xFFFF  }
0x37: {  	p0 =	sne.s32 s0, $0x0;
	_ =	strace $0x90000047  }
0x38: {  	s0 =	sadd.s32 @!p0 $0x100000, s1;
	[bflag:$0x2] =	sbarrier.arrive $0xFFFF  }
0x39: {  	[sflag:s0] =	ssyncadd.tile.s32 @!p0 $0x1;
	_ =	shalt  }
.Lfunc_end2:
_tile_overlayer_lowered:
.L_overlay_start_2:
0x3a: {  	(tag) =	ssettag $0x2  }
0x3b: {  	s0 =	rddreg [dreg:$0x0];
	s2 =	stileid.u32  }
0x3c: {  	s1 =	rddreg [dreg:$0x1];
	p0 =	sne.s32 s2, $0x0  }
0x3d: {  	s3 =	rddreg [dreg:$0x2];
	[bflag:$0x3] =	sbarrier.arrive $0xFFFF;
	s2 =	simm.s32 @!p0 $0x1C02  }
0x3e: {  	[timem:s3], [sflag:s2] =	dma.local @!p0 [hbm:s0], s1  }
0x3f: {  	s0 =	simm.s32 @!p0 $0x2  }
0x40: {  	_ =	swait.ge @!p0 [sflag:s0], s1  }
0x41: {  	s1 =	ssub.s32 @!p0 $0x0, s1;
	[sflag:s0] =	ssyncset.done @!p0 $0x0  }
0x42: {  	[sflag:s0] =	ssyncadd.s32 @!p0 s1  }
0x43: {  	[bflag:$0x3] =	sbarrier.arrive $0xFFFF  }
0x44: {  	_ =	shalt  }

// kernel: kernel.9.cloned.1.call-start
scs
__scs_entry_jumppad:
0x0: {  	(pc) =	sbr.rel $0x88, $3  }
0x1: {  	(tag) =	ssettag $0x0;
	lr =	simm.s32 $0x1  }
0x2: {  	[smem:$0x3F9D] =	sst lr;
	_ =	strace $0xD0000000  }
0x3: {  	_ = 	snop  }
0x4: {  	_ = 	snop  }
0x5: {  	_ = 	snop  }
0x6: {  	_ = 	snop  }
0x7: {  	_ = 	snop  }
__scs_overlays_trampoline_lowered:
0x8: {  	[smem:$0x3FAC] =	sst s0  }
0x9: {  	[smem:$0x3FAD] =	sst s1  }
0xa: {  	[smem:$0x3FAE] =	sst s2  }
0xb: {  	[smem:$0x3FAF] =	sst s3  }
0xc: {  	[smem:$0x3FB0] =	sst s4  }
0xd: {  	[smem:$0x3FB1] =	sst s5  }
0xe: {  	[smem:$0x3FB2] =	sst s6  }
0xf: {  	[smem:$0x3FB3] =	sst s7  }
0x10: {  	[smem:$0x3FB4] =	sst s8  }
0x11: {  	[smem:$0x3FB5] =	sst s9;
	s0 =	simm.s32 @!p0 $0x0  }
0x12: {  	s1 =	sld [smem:$0x3F9B];
	s0 =	simm.s32 @p0 $0x1  }
0x13: {  	[smem:$0x3FB6] =	sst s0;
	s0 =	simm.s32 @!p1 $0x0  }
0x14: {  	s2 =	sld [smem:$0x3F9A];
	s0 =	simm.s32 @p1 $0x1  }
0x15: {  	[smem:$0x3FB7] =	sst s0;
	s0 =	simm.s32 @!p2 $0x0  }
0x16: {  	s3 =	sld [smem:$0x3FDB];
	s0 =	simm.s32 @p2 $0x1  }
0x17: {  	s4 =	simm.s32 $0x1BF5;
	[smem:$0x3FB9] =	sst s0  }
0x18: {  	s0 =	sld [smem:$0x3F9C];
	_ =	swait.ge [sflag:s4], $0x0  }
0x19: {  	s7 =	sld [smem:$0x3F9D]  }
0x1a: {  	s8 =	sadd.s32 $0xFFFFE003, lr  }
0x1b: {  	s9 =	sadd.s32 $0xFFFFFEF7, lr;
	s5 =	simm.s32 $0xFFFFFFFF;
	p2 =	slt.u32 s8, $0xFFFFF086  }
0x1c: {  	p1 =	slt.u32 s9, $0xF7A;
	s5 =	simm.s32 @!p2 $0x0  }
0x1d: {  	s5 =	simm.s32 @p1 $0x1;
	p0 =	seq.s32 s7, s2  }
0x1e: {  	s7 =	smul.u32 @!p0 $0xF7A, s2;
	p2 =	seq.s32 @!p0 s5, $0x0  }
0x1f: {  	s9 =	smul.u32 $0xF7A, s1;
	s8 =	simm.s32 @!p0 $0x1BF5;
	p2 =	por !p2, p0  }
0x20: {  	[sflag:s8] =	ssyncset.s32 @!p0 $0xFFFFF086;
	s6 =	sadd.s32 @!p0 s3, s7;
	s7 =	simm.s32 @!p0 $0x108  }
0x21: {  	s3 =	sadd.s32 s3, s9;
	s6 =	sadd.s32 @!p0 $0x88, s6;
	s7 =	simm.s32 @p2 $0x1082  }
0x22: {  	[simem:s7], [sflag:s8] =	dma.local @!p0 [hbm:s6], $0xF7A  }
0x23: {  	s9 =	sor.u32 $0xD0000000, s2;
	s6 =	simm.s32 $0x108;
	_ =	swait.ge @!p0 [sflag:s8], $0x0  }
0x24: {  	s3 =	sadd.s32 $0x88, s3;
	s6 =	simm.s32 @!p1 $0x1082;
	[sflag:s4] =	ssyncset.s32 $0xFFFFF086  }
0x25: {  	[simem:s6], [sflag:s4] =	dma.local [hbm:s3], $0xF7A  }
0x26: {  	[smem:$0x3F9D] =	sst s1;
	(tag) =	ssettag s2;
	_ =	strace s9  }
0x27: {  	s1 =	sld [smem:$0x3FAD]  }
0x28: {  	s2 =	sld [smem:$0x3FAE]  }
0x29: {  	s4 =	sld [smem:$0x3FB0]  }
0x2a: {  	p0 =	seq.s32 s5, $0x0;
	s5 =	sld [smem:$0x3FB1]  }
0x2b: {  	s6 =	sld [smem:$0x3FB2]  }
0x2c: {  	s7 =	sld [smem:$0x3FB3]  }
0x2d: {  	s3 =	simm.s32 $0x108;
	s8 =	sld [smem:$0x3FB4]  }
0x2e: {  	s3 =	simm.s32 @!p0 $0x1082;
	s9 =	sld [smem:$0x3FB5]  }
0x2f: {  	lr =	sadd.s32 s0, s3;
	s0 =	sld [smem:$0x3FAC]  }
0x30: {  	s3 =	sld [smem:$0x3FAF]  }
0x31: {  	[smem:$0x3FB8] =	sst s10  }
0x32: {  	s10 =	sld [smem:$0x3FB6];
	_ =	sdelay $0x3  }
0x33: {  	p0 =	seq.s32 s10, $0x1;
	s10 =	sld [smem:$0x3FB8];
	_ =	sdelay $0x3  }
0x34: {  	[smem:$0x3FB8] =	sst s10  }
0x35: {  	s10 =	sld [smem:$0x3FB7];
	_ =	sdelay $0x3  }
0x36: {  	p1 =	seq.s32 s10, $0x1;
	s10 =	sld [smem:$0x3FB8];
	_ =	sdelay $0x3  }
0x37: {  	[smem:$0x3FB8] =	sst s10  }
0x38: {  	s10 =	sld [smem:$0x3FB9]  }
0x39: {  	_ = 	snop;
	(pc) =	sbr.ind lr, $3  }
0x3a: {  	_ = 	snop  }
0x3b: {  	_ = 	snop  }
0x3c: {  	p2 =	seq.s32 s10, $0x1;
	s10 =	sld [smem:$0x3FB8]  }
0x3d: {  	_ =	shalt  }
0x3e: {  	_ =	shalt  }
0x3f: {  	_ =	shalt  }
0x40: {  	_ =	shalt  }
0x41: {  	_ =	shalt  }
0x42: {  	_ =	shalt  }
0x43: {  	_ =	shalt  }
0x44: {  	_ =	shalt  }
0x45: {  	_ =	shalt  }
0x46: {  	_ =	shalt  }
0x47: {  	_ =	shalt  }
0x48: {  	_ =	shalt  }
0x49: {  	_ =	shalt  }
0x4a: {  	_ =	shalt  }
0x4b: {  	_ =	shalt  }
0x4c: {  	_ =	shalt  }
0x4d: {  	_ =	shalt  }
0x4e: {  	_ =	shalt  }
0x4f: {  	_ =	shalt  }
0x50: {  	_ =	shalt  }
0x51: {  	_ =	shalt  }
0x52: {  	_ =	shalt  }
0x53: {  	_ =	shalt  }
0x54: {  	_ =	shalt  }
0x55: {  	_ =	shalt  }
0x56: {  	_ =	shalt  }
0x57: {  	_ =	shalt  }
0x58: {  	_ =	shalt  }
0x59: {  	_ =	shalt  }
0x5a: {  	_ =	shalt  }
0x5b: {  	_ =	shalt  }
0x5c: {  	_ =	shalt  }
0x5d: {  	_ =	shalt  }
0x5e: {  	_ =	shalt  }
0x5f: {  	_ =	shalt  }
0x60: {  	_ =	shalt  }
0x61: {  	_ =	shalt  }
0x62: {  	_ =	shalt  }
0x63: {  	_ =	shalt  }
0x64: {  	_ =	shalt  }
0x65: {  	_ =	shalt  }
0x66: {  	_ =	shalt  }
0x67: {  	_ =	shalt  }
0x68: {  	_ =	shalt  }
0x69: {  	_ =	shalt  }
0x6a: {  	_ =	shalt  }
0x6b: {  	_ =	shalt  }
0x6c: {  	_ =	shalt  }
0x6d: {  	_ =	shalt  }
0x6e: {  	_ =	shalt  }
0x6f: {  	_ =	shalt  }
0x70: {  	_ =	shalt  }
0x71: {  	_ =	shalt  }
0x72: {  	_ =	shalt  }
0x73: {  	_ =	shalt  }
0x74: {  	_ =	shalt  }
0x75: {  	_ =	shalt  }
0x76: {  	_ =	shalt  }
0x77: {  	_ =	shalt  }
0x78: {  	_ =	shalt  }
0x79: {  	_ =	shalt  }
0x7a: {  	_ =	shalt  }
0x7b: {  	_ =	shalt  }
0x7c: {  	_ =	shalt  }
0x7d: {  	_ =	shalt  }
0x7e: {  	_ =	shalt  }
0x7f: {  	_ =	shalt  }
0x80: {  	_ =	shalt  }
0x81: {  	_ =	shalt  }
0x82: {  	_ =	shalt  }
0x83: {  	_ =	shalt  }
0x84: {  	_ =	shalt  }
0x85: {  	_ =	shalt  }
0x86: {  	_ =	shalt  }
0x87: {  	_ =	shalt  }
.Lfunc_end0:
.L_simem_size_0:
called_computation.1_lowered:
.L_overlay_start_0:
0x88: {  	s2 =	sld [smem:$0x3FD9]  }
0x89: {  	s3 =	sld [smem:$0x3FFE];
	_ =	sdelay $0x1  }
0x8a: {  	s1 =	srdreg.scid  }
0x8b: {  	s0 =	sand.u32 $0x1, s1  }
0x8c: {  	s17 =	sshll.u32 s0, $0xA;
	s2 =	sadd.s32 s3, s2  }
0x8d: {  	s2 =	sadd.s32 s2, s17  }
0x8e: {  	[smem:$0x3FC4] =	sst s2  }
0x8f: {  	_ = 	snop  }
0x90: {  	s2 =	sld [smem:$0x3FD0];
	(tm) =	ssettm $0x1  }
0x91: {  	s18 =	sld [smem:$0x3FFB];
	_ =	sdelay $0x3  }
0x92: {  	_ =	strace s18  }
0x93: {  	s3 =	sld [smem:$0x3FFC];
	_ =	sdelay $0x3  }
0x94: {  	_ =	strace s3  }
0x95: {  	s3 =	sld [smem:$0x3FFD];
	_ =	sdelay $0x3  }
0x96: {  	_ =	strace s3  }
0x97: {  	_ =	strace $0x8FFFFFFF  }
0x98: {  	s19 =	sld [smem:$0x3FDB];
	_ =	sdelay $0x1  }
0x99: {  	s4 =	simm.s32 $_scs_section_size  }
0x9a: {  	s5 =	simm.s32 $_size__tile_overlayer_lowered;
	s6 =	simm.s32 $_tile_overlayer_lowered  }
0x9b: {  	s22 =	simm.s32 $0x1BFF;
	s21 =	sshll.u32 s6, $0x1;
	s3 =	sadd.s32 s4, s19  }
0x9c: {  	s7 =	simm.s32 $0x0;
	s20 =	sshll.u32 s5, $0x1;
	s5 =	sadd.s32 s21, s3  }
0x9d: {  	[timem:s7], [sflag:s22] =	dma.local [hbm:s5], s20  }
0x9e: {  	_ =	swait.ge [sflag:s22], s20  }
0x9f: {  	s4 =	ssub.s32 $0x0, s20;
	[sflag:s22] =	ssyncset.done $0x0  }
0xa0: {  	[sflag:s22] =	ssyncadd.s32 s4;
	_ =	sdelay $0x1  }
0xa1: {  	s23 =	simm.s32 $0x1B8B  }
0xa2: {  	_ =	swait.ge [sflag:s23], $0x1  }
0xa3: {  	[sflag:s23] =	ssyncset.done $0x0  }
0xa4: {  	s25 =	simm.s32 $0x1B8E;
	s24 =	sld [smem:$0x3FFE];
	[sflag:s23] =	ssyncadd.s32 $0xFFFFFFFF  }
0xa5: {  	s26 =	simm.s32 $execute0_lowered;
	[smem:$0x3FD2] =	sst s25  }
0xa6: {  	s5 =	sshll.u32 s26, $0x1;
	_ =	strace $0x80000049;
	[dreg:$0x1] =	wrdreg $0xFFFFFFFF  }
0xa7: {  	s28 =	simm.s32 $_size_execute0_lowered;
	s3 =	sadd.s32 s3, s5;
	[dreg:$0x0] =	wrdreg $0x0  }
0xa8: {  	s5 =	sshll.u32 s28, $0x1;
	[dreg:$0x2] =	wrdreg s3  }
0xa9: {  	[dreg:$0x3] =	wrdreg s5  }
0xaa: {  	[dreg:$0x4] =	wrdreg $0xC0  }
0xab: {  	_ =	task [dreg:s7], $0x5FFFF  }
0xac: {  	[dreg:$0x1] =	wrdreg $0xFFFFFFFF  }
0xad: {  	[dreg:$0x0] =	wrdreg $0x60  }
0xae: {  	[dreg:$0x2] =	wrdreg s24  }
0xaf: {  	[dreg:$0x3] =	wrdreg s2  }
0xb0: {  	[dreg:$0x4] =	wrdreg $0xC6200  }
0xb1: {  	[dreg:$0x5] =	wrdreg $0x9  }
0xb2: {  	_ =	task.clear_ibuf [dreg:s7], $0x6FFFF;
	_ =	strace $0x90000049  }
0xb3: {  	s29 =	simm.s32 $0x9;
	_ =	strace $0x8000004B  }
0xb4: {  	_ =	swait.ge [sflag:s29], $0x1  }
0xb5: {  	[sflag:s29] =	ssyncadd.s32 $0xFFFFFFFF  }
0xb6: {  	_ =	strace $0x9000004B  }
0xb7: {  	_ =	sfence  }
0xb8: {  	s30 =	sld [smem:$0x0];
	_ =	sdelay $0x2  }
0xb9: {  	s31 =	sshll.u32 s1, $0xD;
	s1 =	sshrl.u32 s1, $0x2  }
0xba: {  	s3 =	sand.u32 $0x4000, s31;
	s1 =	sadd.s32 s1, s30  }
0xbb: {  	s0 =	sor.u32 s3, s0;
	s1 =	sshll.u32 s1, $0x11  }
0xbc: {  	s0 =	sor.u32 s1, s0  }
0xbd: {  	s0 =	sadd.s32 $0x8F2B, s0  }
0xbe: {  	[sflag:s0] =	ssyncadd.remote.s32 $0x1  }
0xbf: {  	_ =	sfence.sel $0xFFFF  }
0xc0: {  	[dreg:$0x0] =	wrdreg $0xFFFFFFFF;
	(pc) =	sbr.abs _section_cstart, $3  }
0xc1: {  	[dreg:$0x1] =	wrdreg $0xFFFFFFFF  }
0xc2: {  	_ =	task.clear_ibuf [dreg:s7], $0x2FFFF;
	_ =	strace $0x9FFFFFFF  }
0xc3: {  	(tm) =	ssettm $0x7FFFFFFF  }
tec
execute0_lowered:
.L_overlay_start_1:
0x0: {  	(tag) =	ssettag $0x1  }
0x1: {  	s0 =	rddreg [dreg:$0x0]  }
0x2: {  	s1 =	srdreg.scid;
	s2 =	rddreg [dreg:$0x1]  }
0x3: {  	s3 =	rddreg [dreg:$0x2];
	s9 =	stileid.u32  }
0x4: {  	s4 =	simm.s32 $0x0;
	s17 =	simm.s32 $0x4;
	s18 =	simm.s32 $0x5  }
0x5: {  	s19 =	simm.s32 $0x50;
	s20 =	simm.s32 $0x7620;
	s22 =	simm.s32 $0x9E20  }
0x6: {  	s23 =	simm.s32 $0x4E20;
	s25 =	simm.s32 $0x7;
	s26 =	simm.s32 $0x1  }
0x7: {  	s28 =	simm.s32 $0x2;
	s29 =	simm.s32 $0x3;
	s30 =	simm.s32 $0x6  }
0x8: {  	s1 =	sand.u32 $0x1, s1;
	[smem:$0x7FF] =	sst s4;
	s7 =	smul.u32 $0x4E200, s9  }
0x9: {  	s15 =	smul.u32 $0x13880, s9;
	s5 =	sshll.u32 s1, $0x4;
	_ =	strace $0x8000004A  }
0xa: {  	s6 =	smul.u32 $0x27100, s1;
	s1 =	ssub.s32 $0x2, s1;
	s5 =	sor.u32 s9, s5  }
0xb: {  	s31 =	sshrl.u32 s1, $0x1;
	s7 =	sshrl.u32 s7, $0x2;
	s16 =	sshrl.u32 s15, $0x3  }
0xc: {  	s5 =	smul.u32 $0x2710, s5;
	s1 =	ssub.s32 s1, s31;
	s14 =	sadd.s32 s7, s3  }
0xd: {  	s7 =	sadd.s32 s15, s3;
	s9 =	sadd.s32 $0x5000, s14;
	s10 =	sadd.s32 $0x7800, s14  }
0xe: {  	s11 =	sadd.s32 $0xA000, s14;
	s12 =	sadd.s32 $0xC800, s14;
	s5 =	sshrl.u32 s5, $0x3  }
0xf: {  	s13 =	sadd.s32 $0xF000, s14;
	s15 =	smax.u32 s1, $0x1;
	s8 =	sadd.s32 s5, s0  }
0x10: {  	s1 =	simm.s32 $0x0;
	s0 =	sadd.s32 s6, s0;
	s5 =	sadd.s32 $0x1C00, s8  }
0x11: {  	s6 =	sadd.s32 $0xB840, s8;
	s8 =	sadd.s32 $0x2800, s14;
	s0 =	sadd.s32 $0x15600, s0  }
0x12: {  	v0 =	vimm.f32 $0.0e+00;
	s14 =	sadd.s32 $0x11800, s14;
	s24 =	sadd.s32 s16, s0;
	s0 =	simm.s32 $0x4DD0  }
.LBB2_1:
0x13: {  	[tilespmem:s4], [sflag:$0x4] =	stream.linear.gather [hbm4b:s5+s4], $0x2710, $0x38;
	[tilespmem:$0x1FEA0] =	vst v63  }
0x14: {  	s16 =	simm.s32 $0x2710  }
0x15: {  	[tilespmem:s16], [sflag:$0x5] =	stream.linear.gather [hbm4b:s6+s4], $0x2710, $0x38;
	[tilespmem:$0x1FEA0] =	vst v63  }
0x16: {  	_ =	swait.ge [sflag:s17], $0x2710  }
0x17: {  	[sflag:s17] =	ssyncset.done $0x0  }
0x18: {  	[sflag:s17] =	ssyncadd.s32 $0xFFFFD8F0  }
0x19: {  	_ =	swait.ge [sflag:s18], $0x2710  }
0x1a: {  	[sflag:s18] =	ssyncset.done $0x0  }
0x1b: {  	[sflag:s18] =	ssyncadd.s32 $0xFFFFD8F0  }
0x1c: {  	[tilespmem:s20], [sflag:$0x2] =	stream.indirect.gather [hbm4b:s2+s19], $0x80, s19, s19, $0xb8;
	[tilespmem:$0x1FEA0] =	vst v63  }
0x1d: {  	s31 =	simm.s32 $0xA0;
	s21 =	simm.s32 $0x200;
	s16 =	simm.s32 $0x0  }
0x1e: {  	[tilespmem:s22], [sflag:$0x3] =	stream.indirect.gather [hbm4b:s2+s19], $0x80, s31, s19, $0xb8;
	[tilespmem:$0x1FEA0] =	vst v63  }
.LBB2_2:
0x1f: {  	p0 =	sne.s32 s21, $0x9E00;
	[tilespmem:s16+$0x4E90] =	vst v0  }
0x20: {  	[tilespmem:s16+$0x4E20] =	vst v0  }
0x21: {  	[tilespmem:s16+$0x4E30] =	vst v0  }
.Ltmp0:
0x22: {  	[tilespmem:s16+$0x4E40] =	vst v0;
	(pc) =	sbr.rel @p0 .LBB2_2-.Ltmp0, $4  }
0x23: {  	[tilespmem:s16+$0x4E50] =	vst v0  }
0x24: {  	[tilespmem:s16+$0x4E60] =	vst v0  }
0x25: {  	[tilespmem:s16+$0x4E70] =	vst v0  }
0x26: {  	[tilespmem:s16+$0x4E80] =	vst v0;
	s16 =	sshra.s32 s21, $0x2;
	s21 =	sadd.s32 $0x200, s21  }
0x27: {  	[tilespmem:s16+$0x4E90] =	vst v0  }
0x28: {  	[tilespmem:s16+$0x4E20] =	vst v0  }
0x29: {  	[tilespmem:s16+$0x4E30] =	vst v0  }
0x2a: {  	[tilespmem:s16+$0x4E40] =	vst v0  }
0x2b: {  	[tilespmem:s16+$0x4E50] =	vst v0  }
0x2c: {  	[tilespmem:s16+$0x4E60] =	vst v0  }
0x2d: {  	[tilespmem:s16+$0x4E70] =	vst v0  }
0x2e: {  	[tilespmem:s16+$0x4E80] =	vst v0  }
0x2f: {  	[spmem:s7] =	stream.linear.scatter [tilespmem:s23], [sflag:$0x7], $0x2800, $0x38;
	[tilespmem:$0x1FEA0] =	vst v63  }
0x30: {  	_ =	swait.ge [sflag:s25], $0x2800  }
0x31: {  	[sflag:s25] =	ssyncset.done $0x0  }
0x32: {  	[sflag:s25] =	ssyncadd.s32 $0xFFFFD800  }
0x33: {  	[spmem:s8] =	stream.linear.scatter [tilespmem:s23], [sflag:$0x7], $0x2800, $0x38;
	[tilespmem:$0x1FEA0] =	vst v63  }
0x34: {  	_ =	swait.ge [sflag:s25], $0x2800  }
0x35: {  	[sflag:s25] =	ssyncset.done $0x0  }
0x36: {  	[sflag:s25] =	ssyncadd.s32 $0xFFFFD800  }
0x37: {  	[spmem:s9] =	stream.linear.scatter [tilespmem:s23], [sflag:$0x7], $0x2800, $0x38;
	[tilespmem:$0x1FEA0] =	vst v63  }
0x38: {  	_ =	swait.ge [sflag:s25], $0x2800  }
0x39: {  	[sflag:s25] =	ssyncset.done $0x0  }
0x3a: {  	[sflag:s25] =	ssyncadd.s32 $0xFFFFD800  }
0x3b: {  	[spmem:s10] =	stream.linear.scatter [tilespmem:s23], [sflag:$0x7], $0x2800, $0x38;
	[tilespmem:$0x1FEA0] =	vst v63  }
0x3c: {  	_ =	swait.ge [sflag:s25], $0x2800  }
0x3d: {  	[sflag:s25] =	ssyncset.done $0x0  }
0x3e: {  	[sflag:s25] =	ssyncadd.s32 $0xFFFFD800  }
0x3f: {  	[spmem:s11] =	stream.linear.scatter [tilespmem:s23], [sflag:$0x7], $0x2800, $0x38;
	[tilespmem:$0x1FEA0] =	vst v63  }
0x40: {  	_ =	swait.ge [sflag:s25], $0x2800  }
0x41: {  	[sflag:s25] =	ssyncset.done $0x0  }
0x42: {  	[sflag:s25] =	ssyncadd.s32 $0xFFFFD800  }
0x43: {  	[spmem:s12] =	stream.linear.scatter [tilespmem:s23], [sflag:$0x7], $0x2800, $0x38;
	[tilespmem:$0x1FEA0] =	vst v63  }
0x44: {  	_ =	swait.ge [sflag:s25], $0x2800  }
0x45: {  	[sflag:s25] =	ssyncset.done $0x0  }
0x46: {  	[sflag:s25] =	ssyncadd.s32 $0xFFFFD800  }
0x47: {  	[spmem:s13] =	stream.linear.scatter [tilespmem:s23], [sflag:$0x7], $0x2800, $0x38;
	[tilespmem:$0x1FEA0] =	vst v63  }
0x48: {  	_ =	swait.ge [sflag:s25], $0x2800  }
0x49: {  	[sflag:s25] =	ssyncset.done $0x0  }
0x4a: {  	[sflag:s25] =	ssyncadd.s32 $0xFFFFD800  }
0x4b: {  	[spmem:s14] =	stream.linear.scatter [tilespmem:s23], [sflag:$0x7], $0x2080, $0x38;
	[tilespmem:$0x1FEA0] =	vst v63  }
0x4c: {  	_ =	swait.ge [sflag:s25], $0x2080  }
0x4d: {  	[sflag:s25] =	ssyncset.done $0x0  }
0x4e: {  	s21 =	simm.s32 $0x0;
	[sflag:s25] =	ssyncadd.s32 $0xFFFFDF80  }
0x4f: {  	[tilespmem:s23], [sflag:$0x1] =	stream.indirect.gather [hbm4b:s2+s19], $0x80, s21, s19, $0xb8;
	[tilespmem:$0x1FEA0] =	vst v63  }
0x50: {  	[bflag:$0x0] =	sbarrier.arrive $0xFFFF  }
0x51: {  	_ =	swait.ge [sflag:s26], $0x2800  }
0x52: {  	[sflag:s26] =	ssyncset.done $0x0  }
0x53: {  	s31 =	simm.s32 $0x2710;
	[sflag:s26] =	ssyncadd.s32 $0xFFFFD800  }
0x54: {  	[spmem:s3] =	stream.indirect.scatter.add.f32 [tilespmem:s23], [sflag:$0x4], $0x80, s31, s19, $0xb8;
	[tilespmem:$0x1FEA0] =	vst v63  }
0x55: {  	_ =	swait.ge [sflag:s17], $0x2800  }
0x56: {  	[sflag:s17] =	ssyncset.done $0x0  }
0x57: {  	s21 =	simm.s32 $0xF0;
	[sflag:s17] =	ssyncadd.s32 $0xFFFFD800  }
0x58: {  	[tilespmem:s23], [sflag:$0x1] =	stream.indirect.gather [hbm4b:s2+s19], $0x80, s21, s19, $0xb8;
	[tilespmem:$0x1FEA0] =	vst v63  }
0x59: {  	_ =	swait.ge [sflag:s28], $0x2800  }
0x5a: {  	[sflag:s28] =	ssyncset.done $0x0  }
0x5b: {  	s31 =	simm.s32 $0x2760;
	[sflag:s28] =	ssyncadd.s32 $0xFFFFD800  }
0x5c: {  	[spmem:s3] =	stream.indirect.scatter.add.f32 [tilespmem:s20], [sflag:$0x5], $0x80, s31, s19, $0xb8;
	[tilespmem:$0x1FEA0] =	vst v63  }
0x5d: {  	_ =	swait.ge [sflag:s18], $0x2800  }
0x5e: {  	[sflag:s18] =	ssyncset.done $0x0  }
0x5f: {  	s21 =	simm.s32 $0x140;
	[sflag:s18] =	ssyncadd.s32 $0xFFFFD800  }
0x60: {  	[tilespmem:s20], [sflag:$0x2] =	stream.indirect.gather [hbm4b:s2+s19], $0x80, s21, s19, $0xb8;
	[tilespmem:$0x1FEA0] =	vst v63  }
0x61: {  	_ =	swait.ge [sflag:s29], $0x2800  }
0x62: {  	[sflag:s29] =	ssyncset.done $0x0  }
0x63: {  	s31 =	simm.s32 $0x27B0;
	[sflag:s29] =	ssyncadd.s32 $0xFFFFD800  }
0x64: {  	[spmem:s3] =	stream.indirect.scatter.add.f32 [tilespmem:s22], [sflag:$0x6], $0x80, s31, s19, $0xb8;
	[tilespmem:$0x1FEA0] =	vst v63  }
0x65: {  	_ =	swait.ge [sflag:s30], $0x2800  }
0x66: {  	[sflag:s30] =	ssyncset.done $0x0  }
0x67: {  	s16 =	simm.s32 $0x3C0;
	s21 =	simm.s32 $0x190;
	[sflag:s30] =	ssyncadd.s32 $0xFFFFD800  }
.LBB2_4:
0x68: {  	[tilespmem:s22], [sflag:$0x3] =	stream.indirect.gather [hbm4b:s2+s19], $0x80, s21, s19, $0xb8;
	[tilespmem:$0x1FEA0] =	vst v63  }
0x69: {  	s21 =	smov.u32 s16  }
0x6a: {  	p0 =	sne.s32 s16, $0x9240;
	s16 =	sadd.s32 $0x3C0, s16;
	_ =	swait.ge [sflag:s26], $0x2800  }
0x6b: {  	s21 =	sshra.s32 s21, $0x2;
	[sflag:s26] =	ssyncset.done $0x0  }
0x6c: {  	s31 =	sadd.s32 $0x2710, s21;
	[sflag:s26] =	ssyncadd.s32 $0xFFFFD800  }
0x6d: {  	[spmem:s3] =	stream.indirect.scatter.add.f32 [tilespmem:s23], [sflag:$0x4], $0x80, s31, s19, $0xb8;
	[tilespmem:$0x1FEA0] =	vst v63  }
0x6e: {  	_ =	swait.ge [sflag:s17], $0x2800  }
0x6f: {  	[sflag:s17] =	ssyncset.done $0x0  }
0x70: {  	s31 =	sadd.s32 $0xF0, s21;
	[sflag:s17] =	ssyncadd.s32 $0xFFFFD800  }
0x71: {  	[tilespmem:s23], [sflag:$0x1] =	stream.indirect.gather [hbm4b:s2+s19], $0x80, s31, s19, $0xb8;
	[tilespmem:$0x1FEA0] =	vst v63  }
0x72: {  	_ =	swait.ge [sflag:s28], $0x2800  }
0x73: {  	[sflag:s28] =	ssyncset.done $0x0  }
0x74: {  	s31 =	sadd.s32 $0x2760, s21;
	[sflag:s28] =	ssyncadd.s32 $0xFFFFD800  }
0x75: {  	[spmem:s3] =	stream.indirect.scatter.add.f32 [tilespmem:s20], [sflag:$0x5], $0x80, s31, s19, $0xb8;
	[tilespmem:$0x1FEA0] =	vst v63  }
0x76: {  	_ =	swait.ge [sflag:s18], $0x2800  }
0x77: {  	[sflag:s18] =	ssyncset.done $0x0  }
0x78: {  	s31 =	sadd.s32 $0x140, s21;
	[sflag:s18] =	ssyncadd.s32 $0xFFFFD800  }
0x79: {  	[tilespmem:s20], [sflag:$0x2] =	stream.indirect.gather [hbm4b:s2+s19], $0x80, s31, s19, $0xb8;
	[tilespmem:$0x1FEA0] =	vst v63  }
0x7a: {  	_ =	swait.ge [sflag:s29], $0x2800  }
0x7b: {  	[sflag:s29] =	ssyncset.done $0x0  }
.Ltmp1:
0x7c: {  	s31 =	sadd.s32 $0x27B0, s21;
	[sflag:s29] =	ssyncadd.s32 $0xFFFFD800;
	(pc) =	sbr.rel @p0 .LBB2_4-.Ltmp1, $4  }
0x7d: {  	[spmem:s3] =	stream.indirect.scatter.add.f32 [tilespmem:s22], [sflag:$0x6], $0x80, s31, s19, $0xb8;
	[tilespmem:$0x1FEA0] =	vst v63  }
0x7e: {  	_ =	swait.ge [sflag:s30], $0x2800  }
0x7f: {  	[sflag:s30] =	ssyncset.done $0x0  }
0x80: {  	s21 =	sadd.s32 $0x190, s21;
	[sflag:s30] =	ssyncadd.s32 $0xFFFFD800  }
0x81: {  	[tilespmem:s22], [sflag:$0x3] =	stream.indirect.gather [hbm4b:s2+s19], $0x80, s21, s19, $0xb8;
	[tilespmem:$0x1FEA0] =	vst v63  }
0x82: {  	_ =	swait.ge [sflag:s26], $0x2800  }
0x83: {  	[sflag:s26] =	ssyncset.done $0x0  }
0x84: {  	s16 =	simm.s32 $0x4C90;
	[sflag:s26] =	ssyncadd.s32 $0xFFFFD800  }
0x85: {  	[spmem:s3] =	stream.indirect.scatter.add.f32 [tilespmem:s23], [sflag:$0x4], $0x80, s16, s19, $0xb8;
	[tilespmem:$0x1FEA0] =	vst v63  }
0x86: {  	_ =	swait.ge [sflag:s17], $0x2800  }
0x87: {  	[sflag:s17] =	ssyncset.done $0x0  }
0x88: {  	s31 =	simm.s32 $0x2670;
	[sflag:s17] =	ssyncadd.s32 $0xFFFFD800  }
0x89: {  	[tilespmem:s23], [sflag:$0x1] =	stream.indirect.gather [hbm4b:s2+s19], $0x80, s31, s19, $0xb8;
	[tilespmem:$0x1FEA0] =	vst v63  }
0x8a: {  	_ =	swait.ge [sflag:s28], $0x2800  }
0x8b: {  	[sflag:s28] =	ssyncset.done $0x0  }
0x8c: {  	s21 =	simm.s32 $0x4CE0;
	[sflag:s28] =	ssyncadd.s32 $0xFFFFD800  }
0x8d: {  	[spmem:s3] =	stream.indirect.scatter.add.f32 [tilespmem:s20], [sflag:$0x5], $0x80, s21, s19, $0xb8;
	[tilespmem:$0x1FEA0] =	vst v63  }
0x8e: {  	_ =	swait.ge [sflag:s18], $0x2800  }
0x8f: {  	[sflag:s18] =	ssyncset.done $0x0  }
0x90: {  	s31 =	simm.s32 $0x26C0;
	[sflag:s18] =	ssyncadd.s32 $0xFFFFD800  }
0x91: {  	[tilespmem:s20], [sflag:$0x2] =	stream.indirect.gather [hbm4b:s2+s19], $0x80, s31, s19, $0xb8;
	[tilespmem:$0x1FEA0] =	vst v63  }
0x92: {  	_ =	swait.ge [sflag:s29], $0x2800  }
0x93: {  	[sflag:s29] =	ssyncset.done $0x0  }
0x94: {  	s21 =	simm.s32 $0x4D30;
	[sflag:s29] =	ssyncadd.s32 $0xFFFFD800  }
0x95: {  	[spmem:s3] =	stream.indirect.scatter.add.f32 [tilespmem:s22], [sflag:$0x6], $0x80, s21, s19, $0xb8;
	[tilespmem:$0x1FEA0] =	vst v63  }
0x96: {  	_ =	swait.ge [sflag:s30], $0x2800  }
0x97: {  	[sflag:s30] =	ssyncset.done $0x0  }
0x98: {  	[sflag:s30] =	ssyncadd.s32 $0xFFFFD800  }
0x99: {  	_ =	swait.ge [sflag:s26], $0x2800  }
0x9a: {  	[sflag:s26] =	ssyncset.done $0x0  }
0x9b: {  	s31 =	simm.s32 $0x4D80;
	[sflag:s26] =	ssyncadd.s32 $0xFFFFD800  }
0x9c: {  	[spmem:s3] =	stream.indirect.scatter.add.f32 [tilespmem:s23], [sflag:$0x4], $0x80, s31, s19, $0xb8;
	[tilespmem:$0x1FEA0] =	vst v63  }
0x9d: {  	_ =	swait.ge [sflag:s17], $0x2800  }
0x9e: {  	[sflag:s17] =	ssyncset.done $0x0  }
0x9f: {  	[sflag:s17] =	ssyncadd.s32 $0xFFFFD800  }
0xa0: {  	_ =	swait.ge [sflag:s28], $0x2800  }
0xa1: {  	[sflag:s28] =	ssyncset.done $0x0  }
0xa2: {  	[sflag:s28] =	ssyncadd.s32 $0xFFFFD800  }
0xa3: {  	[spmem:s3] =	stream.indirect.scatter.add.f32 [tilespmem:s20], [sflag:$0x5], $0x80, s0, s19, $0xb8;
	[tilespmem:$0x1FEA0] =	vst v63  }
0xa4: {  	s21 =	stileid.u32;
	_ =	swait.ge [sflag:s18], $0x2800  }
0xa5: {  	s1 =	sadd.s32 $0x1, s1;
	s16 =	sshll.u32 s21, $0x6;
	[sflag:s18] =	ssyncset.done $0x0  }
0xa6: {  	p0 =	sne.s32 s1, s15;
	s16 =	sor.u32 $0x1C07, s16;
	[sflag:s18] =	ssyncadd.s32 $0xFFFFD800  }
.Ltmp2:
0xa7: {  	s31 =	sshrl.u32 s7, $0x3;
	[bflag:$0x0] =	sbarrier.arrive $0xFFFF;
	(pc) =	sbr.rel @p0 .LBB2_1-.Ltmp2, $4  }
0xa8: {  	[hbm:s24], [sflag:s16] =	dma.local [spmem:s31], $0x2710  }
0xa9: {  	_ =	swait.ge [sflag:s25], $0x2710  }
0xaa: {  	[sflag:s25] =	ssyncset.done $0x0  }
0xab: {  	[sflag:s25] =	ssyncadd.s32 $0xFFFFD8F0  }
0xac: {  	_ =	sfence.sel $0x180000  }
0xad: {  	[bflag:$0x0] =	sbarrier.arrive $0xFFFF  }
0xae: {  	_ =	strace $0x9000004A  }
0xaf: {  	s0 =	stileid.u32;
	[bflag:$0x2] =	sbarrier.arrive $0xFFFF  }
0xb0: {  	p0 =	sne.s32 s0, $0x0;
	s0 =	rddreg [dreg:$0x3]  }
0xb1: {  	s0 =	sadd.s32 @!p0 $0x100000, s0  }
0xb2: {  	[sflag:s0] =	ssyncadd.tile.s32 @!p0 $0x1;
	_ =	shalt  }
.Lfunc_end2:
_tile_overlayer_lowered:
.L_overlay_start_2:
0xb3: {  	(tag) =	ssettag $0x2  }
0xb4: {  	s0 =	rddreg [dreg:$0x0];
	s2 =	stileid.u32  }
0xb5: {  	s1 =	rddreg [dreg:$0x1];
	p0 =	sne.s32 s2, $0x0  }
0xb6: {  	s3 =	rddreg [dreg:$0x2];
	[bflag:$0x3] =	sbarrier.arrive $0xFFFF;
	s2 =	simm.s32 @!p0 $0x1C07  }
0xb7: {  	[timem:s3], [sflag:s2] =	dma.local @!p0 [hbm:s0], s1  }
0xb8: {  	s0 =	simm.s32 @!p0 $0x7  }
0xb9: {  	_ =	swait.ge @!p0 [sflag:s0], s1  }
0xba: {  	s1 =	ssub.s32 @!p0 $0x0, s1;
	[sflag:s0] =	ssyncset.done @!p0 $0x0  }
0xbb: {  	[sflag:s0] =	ssyncadd.s32 @!p0 s1  }
0xbc: {  	[bflag:$0x3] =	sbarrier.arrive $0xFFFF  }
0xbd: {  	_ =	shalt  }

</sc_bundles>
